<compile_context>
chip_gen: v7x
topology: tpu7x:2x2x1
jax: 0.10.2.dev20260603
libtpu: 0.0.44.dev20260713+nightly
codegen_flags: <defaults>
</compile_context>

<pallas_src>
import functools

import jax
import jax.numpy as jnp
from jax import lax
from jax.experimental import pallas as pl
from jax.experimental.pallas import tpu as pltpu
from jax.experimental.pallas import tpu_sc as plsc

N_NODES = 10000
N_EDGES = 320000
D = 128
LW = 16
NC = 2
NS = 16
CH = 128
EPAD = 323584
PADNODE = 10100
NCHD = EPAD // (NC * NS * CH)
NCHA = EPAD // (NS * CH)
NPAD = 10112
ROWS_PER_TILE = NPAD // NS
HALF = NPAD // NC
ACC = 5120
TRASH = HALF
AROWS_PER_TILE = ACC // NS


def _deg_body(src_h, dst_h, zin_h, out_h, idx_s, idx_d, ones_v, hist_sh):
    cid = lax.axis_index("c")
    sid = lax.axis_index("s")

    @pl.loop(0, CH)
    def _(i):
        for c in range(D // LW):
            ones_v[i, pl.ds(c * LW, LW)] = jnp.ones((LW,), jnp.float32)

    wid = cid * NS + sid
    pltpu.sync_copy(src_h.at[wid], idx_s)
    pltpu.sync_copy(dst_h.at[wid], idx_d)

    r0 = sid * ROWS_PER_TILE
    for phase, idx in ((0, idx_s), (1, idx_d)):
        pltpu.sync_copy(zin_h, hist_sh.at[pl.ds(r0, ROWS_PER_TILE)])
        plsc.subcore_barrier()

        @pl.loop(0, NCHD)
        def _(g):
            pltpu.sync_copy(ones_v, hist_sh.at[idx.at[g]], add=True)

        plsc.subcore_barrier()
        pltpu.sync_copy(hist_sh.at[pl.ds(r0, ROWS_PER_TILE)],
                        out_h.at[cid, phase, pl.ds(r0, ROWS_PER_TILE)])
        plsc.subcore_barrier()


def _agg_body(hp_h, src_h, dst_h, zin_h, out_h, idx_s, idx_d, r0_v, r1_v,
              agg_sh, sem0, sem1):
    cid = lax.axis_index("c")
    sid = lax.axis_index("s")
    rows = (r0_v, r1_v)
    sems = (sem0, sem1)

    pltpu.sync_copy(zin_h, agg_sh.at[pl.ds(sid * AROWS_PER_TILE,
                                           AROWS_PER_TILE)])
    plsc.subcore_barrier()

    pltpu.sync_copy(src_h.at[sid], idx_s)
    pltpu.sync_copy(dst_h.at[cid, sid], idx_d)

    for b in range(2):
        pltpu.async_copy(hp_h.at[idx_s.at[b]], rows[b], sems[b])

    def _step(g, b, fire_next):
        pltpu.make_async_copy(hp_h.at[idx_s.at[g]], rows[b], sems[b]).wait()
        pltpu.sync_copy(rows[b], agg_sh.at[idx_d.at[g]], add=True)
        if fire_next:
            pltpu.async_copy(hp_h.at[idx_s.at[g + 2]], rows[b], sems[b])

    @pl.loop(0, NCHA // 2 - 1)
    def _(i):
        for b in range(2):
            _step(i * 2 + b, b, True)

    for b in range(2):
        _step(NCHA - 2 + b, b, False)

    plsc.subcore_barrier()

    r0 = sid * AROWS_PER_TILE
    pltpu.sync_copy(agg_sh.at[pl.ds(r0, AROWS_PER_TILE)],
                    out_h.at[cid, pl.ds(r0, AROWS_PER_TILE)])


def _make_sc_kernels():
    mesh = plsc.VectorSubcoreMesh(core_axis_name="c", subcore_axis_name="s")
    assert mesh.num_cores == NC and mesh.num_subcores == NS

    deg = functools.partial(
        pl.kernel,
        mesh=mesh,
        out_type=jax.ShapeDtypeStruct((NC, 2, NPAD, D), jnp.float32),
        scratch_types=[
            pltpu.VMEM((NCHD, CH), jnp.int32),
            pltpu.VMEM((NCHD, CH), jnp.int32),
            pltpu.VMEM((CH, D), jnp.float32),
            pltpu.VMEM_SHARED((NPAD, D), jnp.float32),
        ],
    )(_deg_body)

    agg = functools.partial(
        pl.kernel,
        mesh=mesh,
        out_type=jax.ShapeDtypeStruct((NC, ACC, D), jnp.float32),
        scratch_types=[
            pltpu.VMEM((NCHA, CH), jnp.int32),
            pltpu.VMEM((NCHA, CH), jnp.int32),
            pltpu.VMEM((CH, D), jnp.float32),
            pltpu.VMEM((CH, D), jnp.float32),
            pltpu.VMEM_SHARED((ACC, D), jnp.float32),
            pltpu.SemaphoreType.DMA,
            pltpu.SemaphoreType.DMA,
        ],
    )(_agg_body)
    return deg, agg


def _prep_body(x_ref, w_ref, degp_ref, dst3_ref, hp_ref, nsrc_ref, ndst_ref,
               dstloc_ref):
    deg_s = degp_ref[0, 0, :, 0:1] + degp_ref[1, 0, :, 0:1]
    deg_d = degp_ref[0, 1, :, 0:1] + degp_ref[1, 1, :, 0:1]
    nsrc = lax.rsqrt(jnp.maximum(deg_s, 1.0))
    ndst = lax.rsqrt(jnp.maximum(deg_d, 1.0))
    nsrc_ref[...] = nsrc
    ndst_ref[...] = ndst
    d3 = dst3_ref[...]
    for c in range(NC):
        loc = d3 - c * HALF
        ok = (loc >= 0) & (loc < HALF)
        dstloc_ref[c] = jnp.where(ok, loc, TRASH)
    h = jnp.dot(x_ref[...], w_ref[...], preferred_element_type=jnp.float32)
    hp_ref[0:N_NODES, :] = h * nsrc[:N_NODES, 0:1]
    hp_ref[N_NODES:NPAD, :] = jnp.zeros((NPAD - N_NODES, D), jnp.float32)


def _layer_tail(aggp_ref, ndst_ref, b_ref, g_ref, be_ref, a_ref):
    agg = jnp.concatenate(
        [aggp_ref[0, 0:HALF], aggp_ref[1, 0:N_NODES - HALF]], axis=0)
    y = agg * ndst_ref[0:N_NODES, 0:1] + b_ref[...]
    m = jnp.mean(y, axis=0, keepdims=True)
    v = jnp.mean((y - m) * (y - m), axis=0, keepdims=True)
    yn = g_ref[...] * (y - m) * lax.rsqrt(v + 1e-5) + be_ref[...]
    return jnp.where(yn >= 0, yn, a_ref[0, 0] * yn)


def _mid_body(aggp_ref, ndst_ref, b_ref, g_ref, be_ref, a_ref, w_ref,
              nsrc_ref, hp_ref):
    h = _layer_tail(aggp_ref, ndst_ref, b_ref, g_ref, be_ref, a_ref)
    h2 = jnp.dot(h, w_ref[...], preferred_element_type=jnp.float32)
    hp_ref[0:N_NODES, :] = h2 * nsrc_ref[0:N_NODES, 0:1]
    hp_ref[N_NODES:NPAD, :] = jnp.zeros((NPAD - N_NODES, D), jnp.float32)


def _final_body(aggp_ref, ndst_ref, b_ref, g_ref, be_ref, a_ref, out_ref):
    out_ref[...] = _layer_tail(aggp_ref, ndst_ref, b_ref, g_ref, be_ref,
                               a_ref)


def kernel(clm_all, inputs, W1, b1, gamma1, beta1, a1, W2, b2, gamma2, beta2,
           a2):
    pad = jnp.full((EPAD - N_EDGES,), PADNODE, jnp.int32)
    srcp = jnp.concatenate([clm_all[0], pad])
    dstp = jnp.concatenate([clm_all[1], pad])
    src2 = srcp.reshape(NC * NS, NCHD, CH)
    dst2 = dstp.reshape(NC * NS, NCHD, CH)
    src3 = srcp.reshape(NS, NCHA, CH)
    dst3 = dstp.reshape(NS, NCHA, CH)
    zindeg = jnp.zeros((ROWS_PER_TILE, D), jnp.float32)
    zin128 = jnp.zeros((AROWS_PER_TILE, D), jnp.float32)

    deg_k, agg_k = _make_sc_kernels()

    degp = deg_k(src2, dst2, zindeg)

    hp1, nsrc, ndst, dstloc = pl.pallas_call(
        _prep_body,
        out_shape=[
            jax.ShapeDtypeStruct((NPAD, D), jnp.float32),
            jax.ShapeDtypeStruct((NPAD, 1), jnp.float32),
            jax.ShapeDtypeStruct((NPAD, 1), jnp.float32),
            jax.ShapeDtypeStruct((NC, NS, NCHA, CH), jnp.int32),
        ],
    )(inputs, W1, degp, dst3)

    aggp1 = agg_k(hp1, src3, dstloc, zin128)

    hp2 = pl.pallas_call(
        _mid_body,
        out_shape=jax.ShapeDtypeStruct((NPAD, D), jnp.float32),
    )(aggp1, ndst, b1.reshape(1, D), gamma1.reshape(1, D),
      beta1.reshape(1, D), a1.reshape(1, 1), W2, nsrc)

    aggp2 = agg_k(hp2, src3, dstloc, zin128)

    out = pl.pallas_call(
        _final_body,
        out_shape=jax.ShapeDtypeStruct((N_NODES, D), jnp.float32),
    )(aggp2, ndst, b2.reshape(1, D), gamma2.reshape(1, D),
      beta2.reshape(1, D), a2.reshape(1, 1))

    return out

# --- scband reference (transcript-rebuilt; emitter-appended) ---
"""Pipeline reference for scband-network-representation-module-gcn-57346403336482 (READ-ONLY COPY).

The authoritative reference and input builder live on the scoring server;
editing this copy changes nothing except your own understanding.
"""

import jax, jax.numpy as jnp
import numpy as np

N_NODES = 10000
N_EDGES = 320000
D_IN = 128
D_H = 128


def setup_inputs(seed: int = 0):
    key = jax.random.key(seed)
    ks = jax.random.split(key, 8)
    clm_all = jax.random.randint(ks[0], (2, N_EDGES), 0, N_NODES, dtype=jnp.int32)
    inputs = jax.random.normal(ks[1], (N_NODES, D_IN), dtype=jnp.float32)
    s1 = 1.0 / np.sqrt(D_IN)
    s2 = 1.0 / np.sqrt(D_H)
    W1 = jax.random.uniform(ks[2], (D_IN, D_H), minval=-s1, maxval=s1, dtype=jnp.float32)
    b1 = jnp.zeros((D_H,), dtype=jnp.float32)
    gamma1 = jnp.ones((D_H,), dtype=jnp.float32)
    beta1 = jnp.zeros((D_H,), dtype=jnp.float32)
    a1 = jnp.asarray(0.25, dtype=jnp.float32)
    W2 = jax.random.uniform(ks[3], (D_H, D_H), minval=-s2, maxval=s2, dtype=jnp.float32)
    b2 = jnp.zeros((D_H,), dtype=jnp.float32)
    gamma2 = jnp.ones((D_H,), dtype=jnp.float32)
    beta2 = jnp.zeros((D_H,), dtype=jnp.float32)
    a2 = jnp.asarray(0.25, dtype=jnp.float32)
    return {"clm_all": clm_all, "inputs": inputs, "W1": W1, "b1": b1, "gamma1": gamma1, "beta1": beta1, "a1": a1, "W2": W2, "b2": b2, "gamma2": gamma2, "beta2": beta2, "a2": a2}


def reference(clm_all, inputs, W1, b1, gamma1, beta1, a1, W2, b2, gamma2, beta2, a2):
    src = clm_all[0]
    dst = clm_all[1]

    def gcn(x, W, b):
        # DGL GraphConv with norm='both': D_dst^{-1/2} A D_src^{-1/2} X W + b
        N = x.shape[0]
        deg_out = jnp.zeros((N,), dtype=x.dtype).at[src].add(1.0)
        deg_in = jnp.zeros((N,), dtype=x.dtype).at[dst].add(1.0)
        norm_src = jax.lax.rsqrt(jnp.maximum(deg_out, 1.0))
        norm_dst = jax.lax.rsqrt(jnp.maximum(deg_in, 1.0))
        h = x @ W
        msg = jnp.take(h, src, axis=0) * jnp.take(norm_src, src)[:, None]
        agg = jnp.zeros_like(h).at[dst].add(msg)
        return agg * norm_dst[:, None] + b

    def bn(x, g, bb):
        # BatchNorm1d in training mode: batch statistics
        m = jnp.mean(x, axis=0)
        v = jnp.var(x, axis=0)
        return g * (x - m) * jax.lax.rsqrt(v + 1e-5) + bb

    def prelu(x, a):
        return jnp.where(x >= 0, x, a * x)

    h = prelu(bn(gcn(inputs, W1, b1), gamma1, beta1), a1)
    h = prelu(bn(gcn(h, W2, b2), gamma2, beta2), a2)
    return h

if __name__ == "__main__":
    import jax
    _d = setup_inputs()
    print(jax.jit(kernel)(*tuple(_d.values())))

</pallas_src>

<mosaic_0001>
#map = affine_map<(d0, d1) -> (0, 0)>
#map1 = affine_map<(d0, d1) -> (0, 0, 0)>
#map2 = affine_map<(d0, d1) -> (0, 0, 0, 0)>
module attributes {stable_mosaic.version = 14 : i64} {
  func.func @_agg_body(%arg0: i32, %arg1: i32, %arg2: memref<10112x128xf32, #tpu.memory_space<hbm>>, %arg3: memref<16x158x128xi32, #tpu.memory_space<hbm>>, %arg4: memref<2x16x158x128xi32, #tpu.memory_space<hbm>>, %arg5: memref<320x128xf32, #tpu.memory_space<hbm>>, %arg6: memref<2x5120x128xf32, #tpu.memory_space<hbm>>, %arg7: memref<158x128xi32, #tpu.memory_space<vmem>>, %arg8: memref<158x128xi32, #tpu.memory_space<vmem>>, %arg9: memref<128x128xf32, #tpu.memory_space<vmem>>, %arg10: memref<128x128xf32, #tpu.memory_space<vmem>>, %arg11: memref<5120x128xf32, #tpu.memory_space<vmem_shared>>, %arg12: memref<!tpu.dma_semaphore, #tpu.memory_space<semaphore_mem>>, %arg13: memref<!tpu.dma_semaphore, #tpu.memory_space<semaphore_mem>>) attributes {dimension_semantics = [#tpu.dimension_semantics<core_parallel>, #tpu.dimension_semantics<subcore_parallel>], iteration_bounds = array<i64: 2, 16>, scalar_prefetch = 0 : i64, scratch_operands = 7 : i64, tpu.core_type = #tpu.core_type<sc_vector_subcore>, window_params = [{transform_indices = #map}, {transform_indices = #map1}, {transform_indices = #map2}, {transform_indices = #map}, {transform_indices = #map1}]} {
    %mul3A = arith.constant 320 : i32
    %mul3A_0 = arith.muli %arg1, %mul3A : i32
    "tpu.region"() ({
      %run_scoped3A_35 = tpu.sem_alloc : memref<!tpu.dma_semaphore, #tpu.memory_space<semaphore_mem>>
      %dma_start3A_36 = arith.constant 0 : i32
      %dma_start3A_37 = tpu.memref_slice %arg11[%mul3A_0, %dma_start3A_36] : memref<5120x128xf32, #tpu.memory_space<vmem_shared>> -> memref<320x128xf32, #tpu.memory_space<vmem_shared>>
      tpu.enqueue_dma source(%arg5 : memref<320x128xf32, #tpu.memory_space<hbm>>) target(%dma_start3A_37 : memref<320x128xf32, #tpu.memory_space<vmem_shared>>) target_semaphore(%run_scoped3A_35 : memref<!tpu.dma_semaphore, #tpu.memory_space<semaphore_mem>>)
      %dma_wait3A_38 = arith.constant 0 : i32
      %dma_wait3A_39 = tpu.memref_slice %arg11[%mul3A_0, %dma_wait3A_38] : memref<5120x128xf32, #tpu.memory_space<vmem_shared>> -> memref<320x128xf32, #tpu.memory_space<vmem_shared>>
      tpu.wait_dma2 semaphore(%run_scoped3A_35 : memref<!tpu.dma_semaphore, #tpu.memory_space<semaphore_mem>>) src(%arg5 : memref<320x128xf32, #tpu.memory_space<hbm>>) dst(%dma_wait3A_39 : memref<320x128xf32, #tpu.memory_space<vmem_shared>>)
      tpu.yield
    }) : () -> ()
    %barrier3A = arith.constant 0 : index
    tpu.barrier barrier_id(%barrier3A)
    "tpu.region"() ({
      %run_scoped3A_35 = tpu.sem_alloc : memref<!tpu.dma_semaphore, #tpu.memory_space<semaphore_mem>>
      %dma_start3A_36 = arith.constant 0 : i32
      %dma_start3A_37 = arith.constant 0 : i32
      %dma_start3A_38 = tpu.memref_slice %arg3[%arg1, %dma_start3A_36, %dma_start3A_37] : memref<16x158x128xi32, #tpu.memory_space<hbm>> -> memref<1x158x128xi32, #tpu.memory_space<hbm>>
      %dma_start3A_39 = tpu.memref_squeeze %dma_start3A_38 : memref<1x158x128xi32, #tpu.memory_space<hbm>> -> memref<158x128xi32, #tpu.memory_space<hbm>>
      %dma_start3A_40 = arith.constant 0 : i32
      %dma_start3A_41 = arith.constant 0 : i32
      %dma_start3A_42 = tpu.memref_slice %arg3[%arg1, %dma_start3A_40, %dma_start3A_41] : memref<16x158x128xi32, #tpu.memory_space<hbm>> -> memref<1x158x128xi32, #tpu.memory_space<hbm>>
      %dma_start3A_43 = tpu.memref_squeeze %dma_start3A_42 : memref<1x158x128xi32, #tpu.memory_space<hbm>> -> memref<158x128xi32, #tpu.memory_space<hbm>>
      tpu.enqueue_dma source(%dma_start3A_43 : memref<158x128xi32, #tpu.memory_space<hbm>>) target(%arg7 : memref<158x128xi32, #tpu.memory_space<vmem>>) target_semaphore(%run_scoped3A_35 : memref<!tpu.dma_semaphore, #tpu.memory_space<semaphore_mem>>)
      %dma_wait3A_44 = arith.constant 0 : i32
      %dma_wait3A_45 = arith.constant 0 : i32
      %dma_wait3A_46 = tpu.memref_slice %arg3[%arg1, %dma_wait3A_44, %dma_wait3A_45] : memref<16x158x128xi32, #tpu.memory_space<hbm>> -> memref<1x158x128xi32, #tpu.memory_space<hbm>>
      %dma_wait3A_47 = tpu.memref_squeeze %dma_wait3A_46 : memref<1x158x128xi32, #tpu.memory_space<hbm>> -> memref<158x128xi32, #tpu.memory_space<hbm>>
      %dma_wait3A_48 = arith.constant 0 : i32
      %dma_wait3A_49 = arith.constant 0 : i32
      %dma_wait3A_50 = tpu.memref_slice %arg3[%arg1, %dma_wait3A_48, %dma_wait3A_49] : memref<16x158x128xi32, #tpu.memory_space<hbm>> -> memref<1x158x128xi32, #tpu.memory_space<hbm>>
      %dma_wait3A_51 = tpu.memref_squeeze %dma_wait3A_50 : memref<1x158x128xi32, #tpu.memory_space<hbm>> -> memref<158x128xi32, #tpu.memory_space<hbm>>
      tpu.wait_dma2 semaphore(%run_scoped3A_35 : memref<!tpu.dma_semaphore, #tpu.memory_space<semaphore_mem>>) src(%dma_wait3A_51 : memref<158x128xi32, #tpu.memory_space<hbm>>) dst(%arg7 : memref<158x128xi32, #tpu.memory_space<vmem>>)
      tpu.yield
    }) : () -> ()
    "tpu.region"() ({
      %run_scoped3A_35 = tpu.sem_alloc : memref<!tpu.dma_semaphore, #tpu.memory_space<semaphore_mem>>
      %dma_start3A_36 = arith.constant 0 : i32
      %dma_start3A_37 = arith.constant 0 : i32
      %dma_start3A_38 = tpu.memref_slice %arg4[%arg0, %arg1, %dma_start3A_36, %dma_start3A_37] : memref<2x16x158x128xi32, #tpu.memory_space<hbm>> -> memref<1x1x158x128xi32, #tpu.memory_space<hbm>>
      %dma_start3A_39 = tpu.memref_squeeze %dma_start3A_38 : memref<1x1x158x128xi32, #tpu.memory_space<hbm>> -> memref<158x128xi32, #tpu.memory_space<hbm>>
      %dma_start3A_40 = arith.constant 0 : i32
      %dma_start3A_41 = arith.constant 0 : i32
      %dma_start3A_42 = tpu.memref_slice %arg4[%arg0, %arg1, %dma_start3A_40, %dma_start3A_41] : memref<2x16x158x128xi32, #tpu.memory_space<hbm>> -> memref<1x1x158x128xi32, #tpu.memory_space<hbm>>
      %dma_start3A_43 = tpu.memref_squeeze %dma_start3A_42 : memref<1x1x158x128xi32, #tpu.memory_space<hbm>> -> memref<158x128xi32, #tpu.memory_space<hbm>>
      tpu.enqueue_dma source(%dma_start3A_43 : memref<158x128xi32, #tpu.memory_space<hbm>>) target(%arg8 : memref<158x128xi32, #tpu.memory_space<vmem>>) target_semaphore(%run_scoped3A_35 : memref<!tpu.dma_semaphore, #tpu.memory_space<semaphore_mem>>)
      %dma_wait3A_44 = arith.constant 0 : i32
      %dma_wait3A_45 = arith.constant 0 : i32
      %dma_wait3A_46 = tpu.memref_slice %arg4[%arg0, %arg1, %dma_wait3A_44, %dma_wait3A_45] : memref<2x16x158x128xi32, #tpu.memory_space<hbm>> -> memref<1x1x158x128xi32, #tpu.memory_space<hbm>>
      %dma_wait3A_47 = tpu.memref_squeeze %dma_wait3A_46 : memref<1x1x158x128xi32, #tpu.memory_space<hbm>> -> memref<158x128xi32, #tpu.memory_space<hbm>>
      %dma_wait3A_48 = arith.constant 0 : i32
      %dma_wait3A_49 = arith.constant 0 : i32
      %dma_wait3A_50 = tpu.memref_slice %arg4[%arg0, %arg1, %dma_wait3A_48, %dma_wait3A_49] : memref<2x16x158x128xi32, #tpu.memory_space<hbm>> -> memref<1x1x158x128xi32, #tpu.memory_space<hbm>>
      %dma_wait3A_51 = tpu.memref_squeeze %dma_wait3A_50 : memref<1x1x158x128xi32, #tpu.memory_space<hbm>> -> memref<158x128xi32, #tpu.memory_space<hbm>>
      tpu.wait_dma2 semaphore(%run_scoped3A_35 : memref<!tpu.dma_semaphore, #tpu.memory_space<semaphore_mem>>) src(%dma_wait3A_51 : memref<158x128xi32, #tpu.memory_space<hbm>>) dst(%arg8 : memref<158x128xi32, #tpu.memory_space<vmem>>)
      tpu.yield
    }) : () -> ()
    %dma_start3A = arith.constant 0 : i32
    %dma_start3A_1 = arith.constant 0 : i32
    %dma_start3A_2 = tpu.memref_slice %arg7[%dma_start3A, %dma_start3A_1] : memref<158x128xi32, #tpu.memory_space<vmem>> -> memref<1x128xi32, #tpu.memory_space<vmem>>
    %dma_start3A_3 = tpu.memref_squeeze %dma_start3A_2 : memref<1x128xi32, #tpu.memory_space<vmem>> -> memref<128xi32, #tpu.memory_space<vmem>>
    %dma_start3A_4 = arith.constant 0 : i32
    %dma_start3A_5 = arith.constant 0 : i32
    %dma_start3A_6 = tpu.memref_slice %arg2[%dma_start3A_4, %dma_start3A_5] : memref<10112x128xf32, #tpu.memory_space<hbm>> -> memref<10112x128xf32, #tpu.memory_space<hbm>>
    tpu.enqueue_indirect_dma source(%dma_start3A_6 : memref<10112x128xf32, #tpu.memory_space<hbm>>) target(%arg9 : memref<128x128xf32, #tpu.memory_space<vmem>>) offsets(%dma_start3A_3 : memref<128xi32, #tpu.memory_space<vmem>>) semaphore(%arg12 : memref<!tpu.dma_semaphore, #tpu.memory_space<semaphore_mem>>)
    %dma_start3A_7 = arith.constant 1 : i32
    %dma_start3A_8 = arith.constant 0 : i32
    %dma_start3A_9 = tpu.memref_slice %arg7[%dma_start3A_7, %dma_start3A_8] : memref<158x128xi32, #tpu.memory_space<vmem>> -> memref<1x128xi32, #tpu.memory_space<vmem>>
    %dma_start3A_10 = tpu.memref_squeeze %dma_start3A_9 : memref<1x128xi32, #tpu.memory_space<vmem>> -> memref<128xi32, #tpu.memory_space<vmem>>
    %dma_start3A_11 = arith.constant 0 : i32
    %dma_start3A_12 = arith.constant 0 : i32
    %dma_start3A_13 = tpu.memref_slice %arg2[%dma_start3A_11, %dma_start3A_12] : memref<10112x128xf32, #tpu.memory_space<hbm>> -> memref<10112x128xf32, #tpu.memory_space<hbm>>
    tpu.enqueue_indirect_dma source(%dma_start3A_13 : memref<10112x128xf32, #tpu.memory_space<hbm>>) target(%arg10 : memref<128x128xf32, #tpu.memory_space<vmem>>) offsets(%dma_start3A_10 : memref<128xi32, #tpu.memory_space<vmem>>) semaphore(%arg13 : memref<!tpu.dma_semaphore, #tpu.memory_space<semaphore_mem>>)
    %scan3A = arith.constant 0 : i32
    %scan3A_14 = arith.constant 78 : i32
    %scan3A_15 = arith.addi %scan3A, %scan3A_14 : i32
    %scan3A_16 = arith.constant 1 : i32
    scf.for %scan3A_35 = %scan3A to %scan3A_15 step %scan3A_16  : i32 {
      %mul3A_36 = arith.constant 1 : i32
      %mul3A_37 = arith.muli %scan3A_35, %mul3A_36 : i32
      %add3A = arith.constant 0 : i32
      %add3A_38 = arith.addi %add3A, %mul3A_37 : i32
      %mul3A_39 = arith.constant 2 : i32
      %mul3A_40 = arith.muli %add3A_38, %mul3A_39 : i32
      %add3A_41 = arith.constant 0 : i32
      %add3A_42 = arith.addi %mul3A_40, %add3A_41 : i32
      %dma_wait3A_43 = arith.constant 0 : i32
      %dma_wait3A_44 = tpu.memref_slice %arg7[%add3A_42, %dma_wait3A_43] : memref<158x128xi32, #tpu.memory_space<vmem>> -> memref<1x128xi32, #tpu.memory_space<vmem>>
      %dma_wait3A_45 = tpu.memref_squeeze %dma_wait3A_44 : memref<1x128xi32, #tpu.memory_space<vmem>> -> memref<128xi32, #tpu.memory_space<vmem>>
      %dma_wait3A_46 = arith.constant 0 : i32
      %dma_wait3A_47 = arith.constant 0 : i32
      %dma_wait3A_48 = tpu.memref_slice %arg2[%dma_wait3A_46, %dma_wait3A_47] : memref<10112x128xf32, #tpu.memory_space<hbm>> -> memref<10112x128xf32, #tpu.memory_space<hbm>>
      tpu.wait_indirect_dma semaphore(%arg12 : memref<!tpu.dma_semaphore, #tpu.memory_space<semaphore_mem>>) src(%dma_wait3A_48 : memref<10112x128xf32, #tpu.memory_space<hbm>>) dst(%arg9 : memref<128x128xf32, #tpu.memory_space<vmem>>)
      "tpu.region"() ({
        %run_scoped3A_75 = tpu.sem_alloc : memref<!tpu.dma_semaphore, #tpu.memory_space<semaphore_mem>>
        %dma_start3A_76 = arith.constant 0 : i32
        %dma_start3A_77 = tpu.memref_slice %arg8[%add3A_42, %dma_start3A_76] : memref<158x128xi32, #tpu.memory_space<vmem>> -> memref<1x128xi32, #tpu.memory_space<vmem>>
        %dma_start3A_78 = tpu.memref_squeeze %dma_start3A_77 : memref<1x128xi32, #tpu.memory_space<vmem>> -> memref<128xi32, #tpu.memory_space<vmem>>
        %dma_start3A_79 = arith.constant 0 : i32
        %dma_start3A_80 = arith.constant 0 : i32
        %dma_start3A_81 = tpu.memref_slice %arg11[%dma_start3A_79, %dma_start3A_80] : memref<5120x128xf32, #tpu.memory_space<vmem_shared>> -> memref<5120x128xf32, #tpu.memory_space<vmem_shared>>
        tpu.enqueue_indirect_dma source(%arg9 : memref<128x128xf32, #tpu.memory_space<vmem>>) target(%dma_start3A_81 : memref<5120x128xf32, #tpu.memory_space<vmem_shared>>) offsets(%dma_start3A_78 : memref<128xi32, #tpu.memory_space<vmem>>) semaphore(%run_scoped3A_75 : memref<!tpu.dma_semaphore, #tpu.memory_space<semaphore_mem>>) {add = true}
        %dma_wait3A_82 = arith.constant 0 : i32
        %dma_wait3A_83 = tpu.memref_slice %arg8[%add3A_42, %dma_wait3A_82] : memref<158x128xi32, #tpu.memory_space<vmem>> -> memref<1x128xi32, #tpu.memory_space<vmem>>
        %dma_wait3A_84 = tpu.memref_squeeze %dma_wait3A_83 : memref<1x128xi32, #tpu.memory_space<vmem>> -> memref<128xi32, #tpu.memory_space<vmem>>
        %dma_wait3A_85 = arith.constant 0 : i32
        %dma_wait3A_86 = arith.constant 0 : i32
        %dma_wait3A_87 = tpu.memref_slice %arg11[%dma_wait3A_85, %dma_wait3A_86] : memref<5120x128xf32, #tpu.memory_space<vmem_shared>> -> memref<5120x128xf32, #tpu.memory_space<vmem_shared>>
        tpu.wait_indirect_dma semaphore(%run_scoped3A_75 : memref<!tpu.dma_semaphore, #tpu.memory_space<semaphore_mem>>) src(%arg9 : memref<128x128xf32, #tpu.memory_space<vmem>>) dst(%dma_wait3A_87 : memref<5120x128xf32, #tpu.memory_space<vmem_shared>>)
        tpu.yield
      }) : () -> ()
      %add3A_49 = arith.constant 2 : i32
      %add3A_50 = arith.addi %add3A_42, %add3A_49 : i32
      %dma_start3A_51 = arith.constant 0 : i32
      %dma_start3A_52 = tpu.memref_slice %arg7[%add3A_50, %dma_start3A_51] : memref<158x128xi32, #tpu.memory_space<vmem>> -> memref<1x128xi32, #tpu.memory_space<vmem>>
      %dma_start3A_53 = tpu.memref_squeeze %dma_start3A_52 : memref<1x128xi32, #tpu.memory_space<vmem>> -> memref<128xi32, #tpu.memory_space<vmem>>
      %dma_start3A_54 = arith.constant 0 : i32
      %dma_start3A_55 = arith.constant 0 : i32
      %dma_start3A_56 = tpu.memref_slice %arg2[%dma_start3A_54, %dma_start3A_55] : memref<10112x128xf32, #tpu.memory_space<hbm>> -> memref<10112x128xf32, #tpu.memory_space<hbm>>
      tpu.enqueue_indirect_dma source(%dma_start3A_56 : memref<10112x128xf32, #tpu.memory_space<hbm>>) target(%arg9 : memref<128x128xf32, #tpu.memory_space<vmem>>) offsets(%dma_start3A_53 : memref<128xi32, #tpu.memory_space<vmem>>) semaphore(%arg12 : memref<!tpu.dma_semaphore, #tpu.memory_space<semaphore_mem>>)
      %mul3A_57 = arith.constant 2 : i32
      %mul3A_58 = arith.muli %add3A_38, %mul3A_57 : i32
      %add3A_59 = arith.constant 1 : i32
      %add3A_60 = arith.addi %mul3A_58, %add3A_59 : i32
      %dma_wait3A_61 = arith.constant 0 : i32
      %dma_wait3A_62 = tpu.memref_slice %arg7[%add3A_60, %dma_wait3A_61] : memref<158x128xi32, #tpu.memory_space<vmem>> -> memref<1x128xi32, #tpu.memory_space<vmem>>
      %dma_wait3A_63 = tpu.memref_squeeze %dma_wait3A_62 : memref<1x128xi32, #tpu.memory_space<vmem>> -> memref<128xi32, #tpu.memory_space<vmem>>
      %dma_wait3A_64 = arith.constant 0 : i32
      %dma_wait3A_65 = arith.constant 0 : i32
      %dma_wait3A_66 = tpu.memref_slice %arg2[%dma_wait3A_64, %dma_wait3A_65] : memref<10112x128xf32, #tpu.memory_space<hbm>> -> memref<10112x128xf32, #tpu.memory_space<hbm>>
      tpu.wait_indirect_dma semaphore(%arg13 : memref<!tpu.dma_semaphore, #tpu.memory_space<semaphore_mem>>) src(%dma_wait3A_66 : memref<10112x128xf32, #tpu.memory_space<hbm>>) dst(%arg10 : memref<128x128xf32, #tpu.memory_space<vmem>>)
      "tpu.region"() ({
        %run_scoped3A_75 = tpu.sem_alloc : memref<!tpu.dma_semaphore, #tpu.memory_space<semaphore_mem>>
        %dma_start3A_76 = arith.constant 0 : i32
        %dma_start3A_77 = tpu.memref_slice %arg8[%add3A_60, %dma_start3A_76] : memref<158x128xi32, #tpu.memory_space<vmem>> -> memref<1x128xi32, #tpu.memory_space<vmem>>
        %dma_start3A_78 = tpu.memref_squeeze %dma_start3A_77 : memref<1x128xi32, #tpu.memory_space<vmem>> -> memref<128xi32, #tpu.memory_space<vmem>>
        %dma_start3A_79 = arith.constant 0 : i32
        %dma_start3A_80 = arith.constant 0 : i32
        %dma_start3A_81 = tpu.memref_slice %arg11[%dma_start3A_79, %dma_start3A_80] : memref<5120x128xf32, #tpu.memory_space<vmem_shared>> -> memref<5120x128xf32, #tpu.memory_space<vmem_shared>>
        tpu.enqueue_indirect_dma source(%arg10 : memref<128x128xf32, #tpu.memory_space<vmem>>) target(%dma_start3A_81 : memref<5120x128xf32, #tpu.memory_space<vmem_shared>>) offsets(%dma_start3A_78 : memref<128xi32, #tpu.memory_space<vmem>>) semaphore(%run_scoped3A_75 : memref<!tpu.dma_semaphore, #tpu.memory_space<semaphore_mem>>) {add = true}
        %dma_wait3A_82 = arith.constant 0 : i32
        %dma_wait3A_83 = tpu.memref_slice %arg8[%add3A_60, %dma_wait3A_82] : memref<158x128xi32, #tpu.memory_space<vmem>> -> memref<1x128xi32, #tpu.memory_space<vmem>>
        %dma_wait3A_84 = tpu.memref_squeeze %dma_wait3A_83 : memref<1x128xi32, #tpu.memory_space<vmem>> -> memref<128xi32, #tpu.memory_space<vmem>>
        %dma_wait3A_85 = arith.constant 0 : i32
        %dma_wait3A_86 = arith.constant 0 : i32
        %dma_wait3A_87 = tpu.memref_slice %arg11[%dma_wait3A_85, %dma_wait3A_86] : memref<5120x128xf32, #tpu.memory_space<vmem_shared>> -> memref<5120x128xf32, #tpu.memory_space<vmem_shared>>
        tpu.wait_indirect_dma semaphore(%run_scoped3A_75 : memref<!tpu.dma_semaphore, #tpu.memory_space<semaphore_mem>>) src(%arg10 : memref<128x128xf32, #tpu.memory_space<vmem>>) dst(%dma_wait3A_87 : memref<5120x128xf32, #tpu.memory_space<vmem_shared>>)
        tpu.yield
      }) : () -> ()
      %add3A_67 = arith.constant 2 : i32
      %add3A_68 = arith.addi %add3A_60, %add3A_67 : i32
      %dma_start3A_69 = arith.constant 0 : i32
      %dma_start3A_70 = tpu.memref_slice %arg7[%add3A_68, %dma_start3A_69] : memref<158x128xi32, #tpu.memory_space<vmem>> -> memref<1x128xi32, #tpu.memory_space<vmem>>
      %dma_start3A_71 = tpu.memref_squeeze %dma_start3A_70 : memref<1x128xi32, #tpu.memory_space<vmem>> -> memref<128xi32, #tpu.memory_space<vmem>>
      %dma_start3A_72 = arith.constant 0 : i32
      %dma_start3A_73 = arith.constant 0 : i32
      %dma_start3A_74 = tpu.memref_slice %arg2[%dma_start3A_72, %dma_start3A_73] : memref<10112x128xf32, #tpu.memory_space<hbm>> -> memref<10112x128xf32, #tpu.memory_space<hbm>>
      tpu.enqueue_indirect_dma source(%dma_start3A_74 : memref<10112x128xf32, #tpu.memory_space<hbm>>) target(%arg10 : memref<128x128xf32, #tpu.memory_space<vmem>>) offsets(%dma_start3A_71 : memref<128xi32, #tpu.memory_space<vmem>>) semaphore(%arg13 : memref<!tpu.dma_semaphore, #tpu.memory_space<semaphore_mem>>)
    }
    %scan3A_17 = arith.constant 78 : i32
    %dma_wait3A = arith.constant 156 : i32
    %dma_wait3A_18 = arith.constant 0 : i32
    %dma_wait3A_19 = tpu.memref_slice %arg7[%dma_wait3A, %dma_wait3A_18] : memref<158x128xi32, #tpu.memory_space<vmem>> -> memref<1x128xi32, #tpu.memory_space<vmem>>
    %dma_wait3A_20 = tpu.memref_squeeze %dma_wait3A_19 : memref<1x128xi32, #tpu.memory_space<vmem>> -> memref<128xi32, #tpu.memory_space<vmem>>
    %dma_wait3A_21 = arith.constant 0 : i32
    %dma_wait3A_22 = arith.constant 0 : i32
    %dma_wait3A_23 = tpu.memref_slice %arg2[%dma_wait3A_21, %dma_wait3A_22] : memref<10112x128xf32, #tpu.memory_space<hbm>> -> memref<10112x128xf32, #tpu.memory_space<hbm>>
    tpu.wait_indirect_dma semaphore(%arg12 : memref<!tpu.dma_semaphore, #tpu.memory_space<semaphore_mem>>) src(%dma_wait3A_23 : memref<10112x128xf32, #tpu.memory_space<hbm>>) dst(%arg9 : memref<128x128xf32, #tpu.memory_space<vmem>>)
    %run_scoped3A = arith.constant 156 : i32
    "tpu.region"() ({
      %run_scoped3A_35 = tpu.sem_alloc : memref<!tpu.dma_semaphore, #tpu.memory_space<semaphore_mem>>
      %dma_start3A_36 = arith.constant 0 : i32
      %dma_start3A_37 = tpu.memref_slice %arg8[%run_scoped3A, %dma_start3A_36] : memref<158x128xi32, #tpu.memory_space<vmem>> -> memref<1x128xi32, #tpu.memory_space<vmem>>
      %dma_start3A_38 = tpu.memref_squeeze %dma_start3A_37 : memref<1x128xi32, #tpu.memory_space<vmem>> -> memref<128xi32, #tpu.memory_space<vmem>>
      %dma_start3A_39 = arith.constant 0 : i32
      %dma_start3A_40 = arith.constant 0 : i32
      %dma_start3A_41 = tpu.memref_slice %arg11[%dma_start3A_39, %dma_start3A_40] : memref<5120x128xf32, #tpu.memory_space<vmem_shared>> -> memref<5120x128xf32, #tpu.memory_space<vmem_shared>>
      tpu.enqueue_indirect_dma source(%arg9 : memref<128x128xf32, #tpu.memory_space<vmem>>) target(%dma_start3A_41 : memref<5120x128xf32, #tpu.memory_space<vmem_shared>>) offsets(%dma_start3A_38 : memref<128xi32, #tpu.memory_space<vmem>>) semaphore(%run_scoped3A_35 : memref<!tpu.dma_semaphore, #tpu.memory_space<semaphore_mem>>) {add = true}
      %dma_wait3A_42 = arith.constant 0 : i32
      %dma_wait3A_43 = tpu.memref_slice %arg8[%run_scoped3A, %dma_wait3A_42] : memref<158x128xi32, #tpu.memory_space<vmem>> -> memref<1x128xi32, #tpu.memory_space<vmem>>
      %dma_wait3A_44 = tpu.memref_squeeze %dma_wait3A_43 : memref<1x128xi32, #tpu.memory_space<vmem>> -> memref<128xi32, #tpu.memory_space<vmem>>
      %dma_wait3A_45 = arith.constant 0 : i32
      %dma_wait3A_46 = arith.constant 0 : i32
      %dma_wait3A_47 = tpu.memref_slice %arg11[%dma_wait3A_45, %dma_wait3A_46] : memref<5120x128xf32, #tpu.memory_space<vmem_shared>> -> memref<5120x128xf32, #tpu.memory_space<vmem_shared>>
      tpu.wait_indirect_dma semaphore(%run_scoped3A_35 : memref<!tpu.dma_semaphore, #tpu.memory_space<semaphore_mem>>) src(%arg9 : memref<128x128xf32, #tpu.memory_space<vmem>>) dst(%dma_wait3A_47 : memref<5120x128xf32, #tpu.memory_space<vmem_shared>>)
      tpu.yield
    }) : () -> ()
    %dma_wait3A_24 = arith.constant 157 : i32
    %dma_wait3A_25 = arith.constant 0 : i32
    %dma_wait3A_26 = tpu.memref_slice %arg7[%dma_wait3A_24, %dma_wait3A_25] : memref<158x128xi32, #tpu.memory_space<vmem>> -> memref<1x128xi32, #tpu.memory_space<vmem>>
    %dma_wait3A_27 = tpu.memref_squeeze %dma_wait3A_26 : memref<1x128xi32, #tpu.memory_space<vmem>> -> memref<128xi32, #tpu.memory_space<vmem>>
    %dma_wait3A_28 = arith.constant 0 : i32
    %dma_wait3A_29 = arith.constant 0 : i32
    %dma_wait3A_30 = tpu.memref_slice %arg2[%dma_wait3A_28, %dma_wait3A_29] : memref<10112x128xf32, #tpu.memory_space<hbm>> -> memref<10112x128xf32, #tpu.memory_space<hbm>>
    tpu.wait_indirect_dma semaphore(%arg13 : memref<!tpu.dma_semaphore, #tpu.memory_space<semaphore_mem>>) src(%dma_wait3A_30 : memref<10112x128xf32, #tpu.memory_space<hbm>>) dst(%arg10 : memref<128x128xf32, #tpu.memory_space<vmem>>)
    %run_scoped3A_31 = arith.constant 157 : i32
    "tpu.region"() ({
      %run_scoped3A_35 = tpu.sem_alloc : memref<!tpu.dma_semaphore, #tpu.memory_space<semaphore_mem>>
      %dma_start3A_36 = arith.constant 0 : i32
      %dma_start3A_37 = tpu.memref_slice %arg8[%run_scoped3A_31, %dma_start3A_36] : memref<158x128xi32, #tpu.memory_space<vmem>> -> memref<1x128xi32, #tpu.memory_space<vmem>>
      %dma_start3A_38 = tpu.memref_squeeze %dma_start3A_37 : memref<1x128xi32, #tpu.memory_space<vmem>> -> memref<128xi32, #tpu.memory_space<vmem>>
      %dma_start3A_39 = arith.constant 0 : i32
      %dma_start3A_40 = arith.constant 0 : i32
      %dma_start3A_41 = tpu.memref_slice %arg11[%dma_start3A_39, %dma_start3A_40] : memref<5120x128xf32, #tpu.memory_space<vmem_shared>> -> memref<5120x128xf32, #tpu.memory_space<vmem_shared>>
      tpu.enqueue_indirect_dma source(%arg10 : memref<128x128xf32, #tpu.memory_space<vmem>>) target(%dma_start3A_41 : memref<5120x128xf32, #tpu.memory_space<vmem_shared>>) offsets(%dma_start3A_38 : memref<128xi32, #tpu.memory_space<vmem>>) semaphore(%run_scoped3A_35 : memref<!tpu.dma_semaphore, #tpu.memory_space<semaphore_mem>>) {add = true}
      %dma_wait3A_42 = arith.constant 0 : i32
      %dma_wait3A_43 = tpu.memref_slice %arg8[%run_scoped3A_31, %dma_wait3A_42] : memref<158x128xi32, #tpu.memory_space<vmem>> -> memref<1x128xi32, #tpu.memory_space<vmem>>
      %dma_wait3A_44 = tpu.memref_squeeze %dma_wait3A_43 : memref<1x128xi32, #tpu.memory_space<vmem>> -> memref<128xi32, #tpu.memory_space<vmem>>
      %dma_wait3A_45 = arith.constant 0 : i32
      %dma_wait3A_46 = arith.constant 0 : i32
      %dma_wait3A_47 = tpu.memref_slice %arg11[%dma_wait3A_45, %dma_wait3A_46] : memref<5120x128xf32, #tpu.memory_space<vmem_shared>> -> memref<5120x128xf32, #tpu.memory_space<vmem_shared>>
      tpu.wait_indirect_dma semaphore(%run_scoped3A_35 : memref<!tpu.dma_semaphore, #tpu.memory_space<semaphore_mem>>) src(%arg10 : memref<128x128xf32, #tpu.memory_space<vmem>>) dst(%dma_wait3A_47 : memref<5120x128xf32, #tpu.memory_space<vmem_shared>>)
      tpu.yield
    }) : () -> ()
    %barrier3A_32 = arith.constant 0 : index
    tpu.barrier barrier_id(%barrier3A_32)
    %mul3A_33 = arith.constant 320 : i32
    %mul3A_34 = arith.muli %arg1, %mul3A_33 : i32
    "tpu.region"() ({
      %run_scoped3A_35 = tpu.sem_alloc : memref<!tpu.dma_semaphore, #tpu.memory_space<semaphore_mem>>
      %dma_start3A_36 = arith.constant 0 : i32
      %dma_start3A_37 = tpu.memref_slice %arg6[%arg0, %mul3A_34, %dma_start3A_36] : memref<2x5120x128xf32, #tpu.memory_space<hbm>> -> memref<1x320x128xf32, #tpu.memory_space<hbm>>
      %dma_start3A_38 = tpu.memref_squeeze %dma_start3A_37 : memref<1x320x128xf32, #tpu.memory_space<hbm>> -> memref<320x128xf32, #tpu.memory_space<hbm>>
      %dma_start3A_39 = arith.constant 0 : i32
      %dma_start3A_40 = tpu.memref_slice %arg11[%mul3A_34, %dma_start3A_39] : memref<5120x128xf32, #tpu.memory_space<vmem_shared>> -> memref<320x128xf32, #tpu.memory_space<vmem_shared>>
      tpu.enqueue_dma source(%dma_start3A_40 : memref<320x128xf32, #tpu.memory_space<vmem_shared>>) target(%dma_start3A_38 : memref<320x128xf32, #tpu.memory_space<hbm>>) target_semaphore(%run_scoped3A_35 : memref<!tpu.dma_semaphore, #tpu.memory_space<semaphore_mem>>)
      %dma_wait3A_41 = arith.constant 0 : i32
      %dma_wait3A_42 = tpu.memref_slice %arg6[%arg0, %mul3A_34, %dma_wait3A_41] : memref<2x5120x128xf32, #tpu.memory_space<hbm>> -> memref<1x320x128xf32, #tpu.memory_space<hbm>>
      %dma_wait3A_43 = tpu.memref_squeeze %dma_wait3A_42 : memref<1x320x128xf32, #tpu.memory_space<hbm>> -> memref<320x128xf32, #tpu.memory_space<hbm>>
      %dma_wait3A_44 = arith.constant 0 : i32
      %dma_wait3A_45 = tpu.memref_slice %arg11[%mul3A_34, %dma_wait3A_44] : memref<5120x128xf32, #tpu.memory_space<vmem_shared>> -> memref<320x128xf32, #tpu.memory_space<vmem_shared>>
      tpu.wait_dma2 semaphore(%run_scoped3A_35 : memref<!tpu.dma_semaphore, #tpu.memory_space<semaphore_mem>>) src(%dma_wait3A_45 : memref<320x128xf32, #tpu.memory_space<vmem_shared>>) dst(%dma_wait3A_43 : memref<320x128xf32, #tpu.memory_space<hbm>>)
      tpu.yield
    }) : () -> ()
    return
  }
}

#map = affine_map<(d0, d1) -> (0, 0)>
#map1 = affine_map<(d0, d1) -> (0, 0, 0)>
#map2 = affine_map<(d0, d1) -> (0, 0, 0, 0)>
module attributes {stable_mosaic.version = 14 : i64} {
  func.func @_agg_body(%arg0: i32, %arg1: i32, %arg2: memref<10112x128xf32, #tpu.memory_space<hbm>>, %arg3: memref<16x158x128xi32, #tpu.memory_space<hbm>>, %arg4: memref<2x16x158x128xi32, #tpu.memory_space<hbm>>, %arg5: memref<320x128xf32, #tpu.memory_space<hbm>>, %arg6: memref<2x5120x128xf32, #tpu.memory_space<hbm>>, %arg7: memref<158x128xi32, #tpu.memory_space<vmem>>, %arg8: memref<158x128xi32, #tpu.memory_space<vmem>>, %arg9: memref<128x128xf32, #tpu.memory_space<vmem>>, %arg10: memref<128x128xf32, #tpu.memory_space<vmem>>, %arg11: memref<5120x128xf32, #tpu.memory_space<vmem_shared>>, %arg12: memref<!tpu.dma_semaphore, #tpu.memory_space<semaphore_mem>>, %arg13: memref<!tpu.dma_semaphore, #tpu.memory_space<semaphore_mem>>) attributes {dimension_semantics = [#tpu.dimension_semantics<core_parallel>, #tpu.dimension_semantics<subcore_parallel>], iteration_bounds = array<i64: 2, 16>, scalar_prefetch = 0 : i64, scratch_operands = 7 : i64, tpu.core_type = #tpu.core_type<sc_vector_subcore>, window_params = [{transform_indices = #map}, {transform_indices = #map1}, {transform_indices = #map2}, {transform_indices = #map}, {transform_indices = #map1}]} {
    %mul3A = arith.constant 320 : i32
    %mul3A_0 = arith.muli %arg1, %mul3A : i32
    "tpu.region"() ({
      %run_scoped3A_35 = tpu.sem_alloc : memref<!tpu.dma_semaphore, #tpu.memory_space<semaphore_mem>>
      %dma_start3A_36 = arith.constant 0 : i32
      %dma_start3A_37 = tpu.memref_slice %arg11[%mul3A_0, %dma_start3A_36] : memref<5120x128xf32, #tpu.memory_space<vmem_shared>> -> memref<320x128xf32, #tpu.memory_space<vmem_shared>>
      tpu.enqueue_dma source(%arg5 : memref<320x128xf32, #tpu.memory_space<hbm>>) target(%dma_start3A_37 : memref<320x128xf32, #tpu.memory_space<vmem_shared>>) target_semaphore(%run_scoped3A_35 : memref<!tpu.dma_semaphore, #tpu.memory_space<semaphore_mem>>)
      %dma_wait3A_38 = arith.constant 0 : i32
      %dma_wait3A_39 = tpu.memref_slice %arg11[%mul3A_0, %dma_wait3A_38] : memref<5120x128xf32, #tpu.memory_space<vmem_shared>> -> memref<320x128xf32, #tpu.memory_space<vmem_shared>>
      tpu.wait_dma2 semaphore(%run_scoped3A_35 : memref<!tpu.dma_semaphore, #tpu.memory_space<semaphore_mem>>) src(%arg5 : memref<320x128xf32, #tpu.memory_space<hbm>>) dst(%dma_wait3A_39 : memref<320x128xf32, #tpu.memory_space<vmem_shared>>)
      tpu.yield
    }) : () -> ()
    %barrier3A = arith.constant 0 : index
    tpu.barrier barrier_id(%barrier3A)
    "tpu.region"() ({
      %run_scoped3A_35 = tpu.sem_alloc : memref<!tpu.dma_semaphore, #tpu.memory_space<semaphore_mem>>
      %dma_start3A_36 = arith.constant 0 : i32
      %dma_start3A_37 = arith.constant 0 : i32
      %dma_start3A_38 = tpu.memref_slice %arg3[%arg1, %dma_start3A_36, %dma_start3A_37] : memref<16x158x128xi32, #tpu.memory_space<hbm>> -> memref<1x158x128xi32, #tpu.memory_space<hbm>>
      %dma_start3A_39 = tpu.memref_squeeze %dma_start3A_38 : memref<1x158x128xi32, #tpu.memory_space<hbm>> -> memref<158x128xi32, #tpu.memory_space<hbm>>
      %dma_start3A_40 = arith.constant 0 : i32
      %dma_start3A_41 = arith.constant 0 : i32
      %dma_start3A_42 = tpu.memref_slice %arg3[%arg1, %dma_start3A_40, %dma_start3A_41] : memref<16x158x128xi32, #tpu.memory_space<hbm>> -> memref<1x158x128xi32, #tpu.memory_space<hbm>>
      %dma_start3A_43 = tpu.memref_squeeze %dma_start3A_42 : memref<1x158x128xi32, #tpu.memory_space<hbm>> -> memref<158x128xi32, #tpu.memory_space<hbm>>
      tpu.enqueue_dma source(%dma_start3A_43 : memref<158x128xi32, #tpu.memory_space<hbm>>) target(%arg7 : memref<158x128xi32, #tpu.memory_space<vmem>>) target_semaphore(%run_scoped3A_35 : memref<!tpu.dma_semaphore, #tpu.memory_space<semaphore_mem>>)
      %dma_wait3A_44 = arith.constant 0 : i32
      %dma_wait3A_45 = arith.constant 0 : i32
      %dma_wait3A_46 = tpu.memref_slice %arg3[%arg1, %dma_wait3A_44, %dma_wait3A_45] : memref<16x158x128xi32, #tpu.memory_space<hbm>> -> memref<1x158x128xi32, #tpu.memory_space<hbm>>
      %dma_wait3A_47 = tpu.memref_squeeze %dma_wait3A_46 : memref<1x158x128xi32, #tpu.memory_space<hbm>> -> memref<158x128xi32, #tpu.memory_space<hbm>>
      %dma_wait3A_48 = arith.constant 0 : i32
      %dma_wait3A_49 = arith.constant 0 : i32
      %dma_wait3A_50 = tpu.memref_slice %arg3[%arg1, %dma_wait3A_48, %dma_wait3A_49] : memref<16x158x128xi32, #tpu.memory_space<hbm>> -> memref<1x158x128xi32, #tpu.memory_space<hbm>>
      %dma_wait3A_51 = tpu.memref_squeeze %dma_wait3A_50 : memref<1x158x128xi32, #tpu.memory_space<hbm>> -> memref<158x128xi32, #tpu.memory_space<hbm>>
      tpu.wait_dma2 semaphore(%run_scoped3A_35 : memref<!tpu.dma_semaphore, #tpu.memory_space<semaphore_mem>>) src(%dma_wait3A_51 : memref<158x128xi32, #tpu.memory_space<hbm>>) dst(%arg7 : memref<158x128xi32, #tpu.memory_space<vmem>>)
      tpu.yield
    }) : () -> ()
    "tpu.region"() ({
      %run_scoped3A_35 = tpu.sem_alloc : memref<!tpu.dma_semaphore, #tpu.memory_space<semaphore_mem>>
      %dma_start3A_36 = arith.constant 0 : i32
      %dma_start3A_37 = arith.constant 0 : i32
      %dma_start3A_38 = tpu.memref_slice %arg4[%arg0, %arg1, %dma_start3A_36, %dma_start3A_37] : memref<2x16x158x128xi32, #tpu.memory_space<hbm>> -> memref<1x1x158x128xi32, #tpu.memory_space<hbm>>
      %dma_start3A_39 = tpu.memref_squeeze %dma_start3A_38 : memref<1x1x158x128xi32, #tpu.memory_space<hbm>> -> memref<158x128xi32, #tpu.memory_space<hbm>>
      %dma_start3A_40 = arith.constant 0 : i32
      %dma_start3A_41 = arith.constant 0 : i32
      %dma_start3A_42 = tpu.memref_slice %arg4[%arg0, %arg1, %dma_start3A_40, %dma_start3A_41] : memref<2x16x158x128xi32, #tpu.memory_space<hbm>> -> memref<1x1x158x128xi32, #tpu.memory_space<hbm>>
      %dma_start3A_43 = tpu.memref_squeeze %dma_start3A_42 : memref<1x1x158x128xi32, #tpu.memory_space<hbm>> -> memref<158x128xi32, #tpu.memory_space<hbm>>
      tpu.enqueue_dma source(%dma_start3A_43 : memref<158x128xi32, #tpu.memory_space<hbm>>) target(%arg8 : memref<158x128xi32, #tpu.memory_space<vmem>>) target_semaphore(%run_scoped3A_35 : memref<!tpu.dma_semaphore, #tpu.memory_space<semaphore_mem>>)
      %dma_wait3A_44 = arith.constant 0 : i32
      %dma_wait3A_45 = arith.constant 0 : i32
      %dma_wait3A_46 = tpu.memref_slice %arg4[%arg0, %arg1, %dma_wait3A_44, %dma_wait3A_45] : memref<2x16x158x128xi32, #tpu.memory_space<hbm>> -> memref<1x1x158x128xi32, #tpu.memory_space<hbm>>
      %dma_wait3A_47 = tpu.memref_squeeze %dma_wait3A_46 : memref<1x1x158x128xi32, #tpu.memory_space<hbm>> -> memref<158x128xi32, #tpu.memory_space<hbm>>
      %dma_wait3A_48 = arith.constant 0 : i32
      %dma_wait3A_49 = arith.constant 0 : i32
      %dma_wait3A_50 = tpu.memref_slice %arg4[%arg0, %arg1, %dma_wait3A_48, %dma_wait3A_49] : memref<2x16x158x128xi32, #tpu.memory_space<hbm>> -> memref<1x1x158x128xi32, #tpu.memory_space<hbm>>
      %dma_wait3A_51 = tpu.memref_squeeze %dma_wait3A_50 : memref<1x1x158x128xi32, #tpu.memory_space<hbm>> -> memref<158x128xi32, #tpu.memory_space<hbm>>
      tpu.wait_dma2 semaphore(%run_scoped3A_35 : memref<!tpu.dma_semaphore, #tpu.memory_space<semaphore_mem>>) src(%dma_wait3A_51 : memref<158x128xi32, #tpu.memory_space<hbm>>) dst(%arg8 : memref<158x128xi32, #tpu.memory_space<vmem>>)
      tpu.yield
    }) : () -> ()
    %dma_start3A = arith.constant 0 : i32
    %dma_start3A_1 = arith.constant 0 : i32
    %dma_start3A_2 = tpu.memref_slice %arg7[%dma_start3A, %dma_start3A_1] : memref<158x128xi32, #tpu.memory_space<vmem>> -> memref<1x128xi32, #tpu.memory_space<vmem>>
    %dma_start3A_3 = tpu.memref_squeeze %dma_start3A_2 : memref<1x128xi32, #tpu.memory_space<vmem>> -> memref<128xi32, #tpu.memory_space<vmem>>
    %dma_start3A_4 = arith.constant 0 : i32
    %dma_start3A_5 = arith.constant 0 : i32
    %dma_start3A_6 = tpu.memref_slice %arg2[%dma_start3A_4, %dma_start3A_5] : memref<10112x128xf32, #tpu.memory_space<hbm>> -> memref<10112x128xf32, #tpu.memory_space<hbm>>
    tpu.enqueue_indirect_dma source(%dma_start3A_6 : memref<10112x128xf32, #tpu.memory_space<hbm>>) target(%arg9 : memref<128x128xf32, #tpu.memory_space<vmem>>) offsets(%dma_start3A_3 : memref<128xi32, #tpu.memory_space<vmem>>) semaphore(%arg12 : memref<!tpu.dma_semaphore, #tpu.memory_space<semaphore_mem>>)
    %dma_start3A_7 = arith.constant 1 : i32
    %dma_start3A_8 = arith.constant 0 : i32
    %dma_start3A_9 = tpu.memref_slice %arg7[%dma_start3A_7, %dma_start3A_8] : memref<158x128xi32, #tpu.memory_space<vmem>> -> memref<1x128xi32, #tpu.memory_space<vmem>>
    %dma_start3A_10 = tpu.memref_squeeze %dma_start3A_9 : memref<1x128xi32, #tpu.memory_space<vmem>> -> memref<128xi32, #tpu.memory_space<vmem>>
    %dma_start3A_11 = arith.constant 0 : i32
    %dma_start3A_12 = arith.constant 0 : i32
    %dma_start3A_13 = tpu.memref_slice %arg2[%dma_start3A_11, %dma_start3A_12] : memref<10112x128xf32, #tpu.memory_space<hbm>> -> memref<10112x128xf32, #tpu.memory_space<hbm>>
    tpu.enqueue_indirect_dma source(%dma_start3A_13 : memref<10112x128xf32, #tpu.memory_space<hbm>>) target(%arg10 : memref<128x128xf32, #tpu.memory_space<vmem>>) offsets(%dma_start3A_10 : memref<128xi32, #tpu.memory_space<vmem>>) semaphore(%arg13 : memref<!tpu.dma_semaphore, #tpu.memory_space<semaphore_mem>>)
    %scan3A = arith.constant 0 : i32
    %scan3A_14 = arith.constant 78 : i32
    %scan3A_15 = arith.addi %scan3A, %scan3A_14 : i32
    %scan3A_16 = arith.constant 1 : i32
    scf.for %scan3A_35 = %scan3A to %scan3A_15 step %scan3A_16  : i32 {
      %mul3A_36 = arith.constant 1 : i32
      %mul3A_37 = arith.muli %scan3A_35, %mul3A_36 : i32
      %add3A = arith.constant 0 : i32
      %add3A_38 = arith.addi %add3A, %mul3A_37 : i32
      %mul3A_39 = arith.constant 2 : i32
      %mul3A_40 = arith.muli %add3A_38, %mul3A_39 : i32
      %add3A_41 = arith.constant 0 : i32
      %add3A_42 = arith.addi %mul3A_40, %add3A_41 : i32
      %dma_wait3A_43 = arith.constant 0 : i32
      %dma_wait3A_44 = tpu.memref_slice %arg7[%add3A_42, %dma_wait3A_43] : memref<158x128xi32, #tpu.memory_space<vmem>> -> memref<1x128xi32, #tpu.memory_space<vmem>>
      %dma_wait3A_45 = tpu.memref_squeeze %dma_wait3A_44 : memref<1x128xi32, #tpu.memory_space<vmem>> -> memref<128xi32, #tpu.memory_space<vmem>>
      %dma_wait3A_46 = arith.constant 0 : i32
      %dma_wait3A_47 = arith.constant 0 : i32
      %dma_wait3A_48 = tpu.memref_slice %arg2[%dma_wait3A_46, %dma_wait3A_47] : memref<10112x128xf32, #tpu.memory_space<hbm>> -> memref<10112x128xf32, #tpu.memory_space<hbm>>
      tpu.wait_indirect_dma semaphore(%arg12 : memref<!tpu.dma_semaphore, #tpu.memory_space<semaphore_mem>>) src(%dma_wait3A_48 : memref<10112x128xf32, #tpu.memory_space<hbm>>) dst(%arg9 : memref<128x128xf32, #tpu.memory_space<vmem>>)
      "tpu.region"() ({
        %run_scoped3A_75 = tpu.sem_alloc : memref<!tpu.dma_semaphore, #tpu.memory_space<semaphore_mem>>
        %dma_start3A_76 = arith.constant 0 : i32
        %dma_start3A_77 = tpu.memref_slice %arg8[%add3A_42, %dma_start3A_76] : memref<158x128xi32, #tpu.memory_space<vmem>> -> memref<1x128xi32, #tpu.memory_space<vmem>>
        %dma_start3A_78 = tpu.memref_squeeze %dma_start3A_77 : memref<1x128xi32, #tpu.memory_space<vmem>> -> memref<128xi32, #tpu.memory_space<vmem>>
        %dma_start3A_79 = arith.constant 0 : i32
        %dma_start3A_80 = arith.constant 0 : i32
        %dma_start3A_81 = tpu.memref_slice %arg11[%dma_start3A_79, %dma_start3A_80] : memref<5120x128xf32, #tpu.memory_space<vmem_shared>> -> memref<5120x128xf32, #tpu.memory_space<vmem_shared>>
        tpu.enqueue_indirect_dma source(%arg9 : memref<128x128xf32, #tpu.memory_space<vmem>>) target(%dma_start3A_81 : memref<5120x128xf32, #tpu.memory_space<vmem_shared>>) offsets(%dma_start3A_78 : memref<128xi32, #tpu.memory_space<vmem>>) semaphore(%run_scoped3A_75 : memref<!tpu.dma_semaphore, #tpu.memory_space<semaphore_mem>>) {add = true}
        %dma_wait3A_82 = arith.constant 0 : i32
        %dma_wait3A_83 = tpu.memref_slice %arg8[%add3A_42, %dma_wait3A_82] : memref<158x128xi32, #tpu.memory_space<vmem>> -> memref<1x128xi32, #tpu.memory_space<vmem>>
        %dma_wait3A_84 = tpu.memref_squeeze %dma_wait3A_83 : memref<1x128xi32, #tpu.memory_space<vmem>> -> memref<128xi32, #tpu.memory_space<vmem>>
        %dma_wait3A_85 = arith.constant 0 : i32
        %dma_wait3A_86 = arith.constant 0 : i32
        %dma_wait3A_87 = tpu.memref_slice %arg11[%dma_wait3A_85, %dma_wait3A_86] : memref<5120x128xf32, #tpu.memory_space<vmem_shared>> -> memref<5120x128xf32, #tpu.memory_space<vmem_shared>>
        tpu.wait_indirect_dma semaphore(%run_scoped3A_75 : memref<!tpu.dma_semaphore, #tpu.memory_space<semaphore_mem>>) src(%arg9 : memref<128x128xf32, #tpu.memory_space<vmem>>) dst(%dma_wait3A_87 : memref<5120x128xf32, #tpu.memory_space<vmem_shared>>)
        tpu.yield
      }) : () -> ()
      %add3A_49 = arith.constant 2 : i32
      %add3A_50 = arith.addi %add3A_42, %add3A_49 : i32
      %dma_start3A_51 = arith.constant 0 : i32
      %dma_start3A_52 = tpu.memref_slice %arg7[%add3A_50, %dma_start3A_51] : memref<158x128xi32, #tpu.memory_space<vmem>> -> memref<1x128xi32, #tpu.memory_space<vmem>>
      %dma_start3A_53 = tpu.memref_squeeze %dma_start3A_52 : memref<1x128xi32, #tpu.memory_space<vmem>> -> memref<128xi32, #tpu.memory_space<vmem>>
      %dma_start3A_54 = arith.constant 0 : i32
      %dma_start3A_55 = arith.constant 0 : i32
      %dma_start3A_56 = tpu.memref_slice %arg2[%dma_start3A_54, %dma_start3A_55] : memref<10112x128xf32, #tpu.memory_space<hbm>> -> memref<10112x128xf32, #tpu.memory_space<hbm>>
      tpu.enqueue_indirect_dma source(%dma_start3A_56 : memref<10112x128xf32, #tpu.memory_space<hbm>>) target(%arg9 : memref<128x128xf32, #tpu.memory_space<vmem>>) offsets(%dma_start3A_53 : memref<128xi32, #tpu.memory_space<vmem>>) semaphore(%arg12 : memref<!tpu.dma_semaphore, #tpu.memory_space<semaphore_mem>>)
      %mul3A_57 = arith.constant 2 : i32
      %mul3A_58 = arith.muli %add3A_38, %mul3A_57 : i32
      %add3A_59 = arith.constant 1 : i32
      %add3A_60 = arith.addi %mul3A_58, %add3A_59 : i32
      %dma_wait3A_61 = arith.constant 0 : i32
      %dma_wait3A_62 = tpu.memref_slice %arg7[%add3A_60, %dma_wait3A_61] : memref<158x128xi32, #tpu.memory_space<vmem>> -> memref<1x128xi32, #tpu.memory_space<vmem>>
      %dma_wait3A_63 = tpu.memref_squeeze %dma_wait3A_62 : memref<1x128xi32, #tpu.memory_space<vmem>> -> memref<128xi32, #tpu.memory_space<vmem>>
      %dma_wait3A_64 = arith.constant 0 : i32
      %dma_wait3A_65 = arith.constant 0 : i32
      %dma_wait3A_66 = tpu.memref_slice %arg2[%dma_wait3A_64, %dma_wait3A_65] : memref<10112x128xf32, #tpu.memory_space<hbm>> -> memref<10112x128xf32, #tpu.memory_space<hbm>>
      tpu.wait_indirect_dma semaphore(%arg13 : memref<!tpu.dma_semaphore, #tpu.memory_space<semaphore_mem>>) src(%dma_wait3A_66 : memref<10112x128xf32, #tpu.memory_space<hbm>>) dst(%arg10 : memref<128x128xf32, #tpu.memory_space<vmem>>)
      "tpu.region"() ({
        %run_scoped3A_75 = tpu.sem_alloc : memref<!tpu.dma_semaphore, #tpu.memory_space<semaphore_mem>>
        %dma_start3A_76 = arith.constant 0 : i32
        %dma_start3A_77 = tpu.memref_slice %arg8[%add3A_60, %dma_start3A_76] : memref<158x128xi32, #tpu.memory_space<vmem>> -> memref<1x128xi32, #tpu.memory_space<vmem>>
        %dma_start3A_78 = tpu.memref_squeeze %dma_start3A_77 : memref<1x128xi32, #tpu.memory_space<vmem>> -> memref<128xi32, #tpu.memory_space<vmem>>
        %dma_start3A_79 = arith.constant 0 : i32
        %dma_start3A_80 = arith.constant 0 : i32
        %dma_start3A_81 = tpu.memref_slice %arg11[%dma_start3A_79, %dma_start3A_80] : memref<5120x128xf32, #tpu.memory_space<vmem_shared>> -> memref<5120x128xf32, #tpu.memory_space<vmem_shared>>
        tpu.enqueue_indirect_dma source(%arg10 : memref<128x128xf32, #tpu.memory_space<vmem>>) target(%dma_start3A_81 : memref<5120x128xf32, #tpu.memory_space<vmem_shared>>) offsets(%dma_start3A_78 : memref<128xi32, #tpu.memory_space<vmem>>) semaphore(%run_scoped3A_75 : memref<!tpu.dma_semaphore, #tpu.memory_space<semaphore_mem>>) {add = true}
        %dma_wait3A_82 = arith.constant 0 : i32
        %dma_wait3A_83 = tpu.memref_slice %arg8[%add3A_60, %dma_wait3A_82] : memref<158x128xi32, #tpu.memory_space<vmem>> -> memref<1x128xi32, #tpu.memory_space<vmem>>
        %dma_wait3A_84 = tpu.memref_squeeze %dma_wait3A_83 : memref<1x128xi32, #tpu.memory_space<vmem>> -> memref<128xi32, #tpu.memory_space<vmem>>
        %dma_wait3A_85 = arith.constant 0 : i32
        %dma_wait3A_86 = arith.constant 0 : i32
        %dma_wait3A_87 = tpu.memref_slice %arg11[%dma_wait3A_85, %dma_wait3A_86] : memref<5120x128xf32, #tpu.memory_space<vmem_shared>> -> memref<5120x128xf32, #tpu.memory_space<vmem_shared>>
        tpu.wait_indirect_dma semaphore(%run_scoped3A_75 : memref<!tpu.dma_semaphore, #tpu.memory_space<semaphore_mem>>) src(%arg10 : memref<128x128xf32, #tpu.memory_space<vmem>>) dst(%dma_wait3A_87 : memref<5120x128xf32, #tpu.memory_space<vmem_shared>>)
        tpu.yield
      }) : () -> ()
      %add3A_67 = arith.constant 2 : i32
      %add3A_68 = arith.addi %add3A_60, %add3A_67 : i32
      %dma_start3A_69 = arith.constant 0 : i32
      %dma_start3A_70 = tpu.memref_slice %arg7[%add3A_68, %dma_start3A_69] : memref<158x128xi32, #tpu.memory_space<vmem>> -> memref<1x128xi32, #tpu.memory_space<vmem>>
      %dma_start3A_71 = tpu.memref_squeeze %dma_start3A_70 : memref<1x128xi32, #tpu.memory_space<vmem>> -> memref<128xi32, #tpu.memory_space<vmem>>
      %dma_start3A_72 = arith.constant 0 : i32
      %dma_start3A_73 = arith.constant 0 : i32
      %dma_start3A_74 = tpu.memref_slice %arg2[%dma_start3A_72, %dma_start3A_73] : memref<10112x128xf32, #tpu.memory_space<hbm>> -> memref<10112x128xf32, #tpu.memory_space<hbm>>
      tpu.enqueue_indirect_dma source(%dma_start3A_74 : memref<10112x128xf32, #tpu.memory_space<hbm>>) target(%arg10 : memref<128x128xf32, #tpu.memory_space<vmem>>) offsets(%dma_start3A_71 : memref<128xi32, #tpu.memory_space<vmem>>) semaphore(%arg13 : memref<!tpu.dma_semaphore, #tpu.memory_space<semaphore_mem>>)
    }
    %scan3A_17 = arith.constant 78 : i32
    %dma_wait3A = arith.constant 156 : i32
    %dma_wait3A_18 = arith.constant 0 : i32
    %dma_wait3A_19 = tpu.memref_slice %arg7[%dma_wait3A, %dma_wait3A_18] : memref<158x128xi32, #tpu.memory_space<vmem>> -> memref<1x128xi32, #tpu.memory_space<vmem>>
    %dma_wait3A_20 = tpu.memref_squeeze %dma_wait3A_19 : memref<1x128xi32, #tpu.memory_space<vmem>> -> memref<128xi32, #tpu.memory_space<vmem>>
    %dma_wait3A_21 = arith.constant 0 : i32
    %dma_wait3A_22 = arith.constant 0 : i32
    %dma_wait3A_23 = tpu.memref_slice %arg2[%dma_wait3A_21, %dma_wait3A_22] : memref<10112x128xf32, #tpu.memory_space<hbm>> -> memref<10112x128xf32, #tpu.memory_space<hbm>>
    tpu.wait_indirect_dma semaphore(%arg12 : memref<!tpu.dma_semaphore, #tpu.memory_space<semaphore_mem>>) src(%dma_wait3A_23 : memref<10112x128xf32, #tpu.memory_space<hbm>>) dst(%arg9 : memref<128x128xf32, #tpu.memory_space<vmem>>)
    %run_scoped3A = arith.constant 156 : i32
    "tpu.region"() ({
      %run_scoped3A_35 = tpu.sem_alloc : memref<!tpu.dma_semaphore, #tpu.memory_space<semaphore_mem>>
      %dma_start3A_36 = arith.constant 0 : i32
      %dma_start3A_37 = tpu.memref_slice %arg8[%run_scoped3A, %dma_start3A_36] : memref<158x128xi32, #tpu.memory_space<vmem>> -> memref<1x128xi32, #tpu.memory_space<vmem>>
      %dma_start3A_38 = tpu.memref_squeeze %dma_start3A_37 : memref<1x128xi32, #tpu.memory_space<vmem>> -> memref<128xi32, #tpu.memory_space<vmem>>
      %dma_start3A_39 = arith.constant 0 : i32
      %dma_start3A_40 = arith.constant 0 : i32
      %dma_start3A_41 = tpu.memref_slice %arg11[%dma_start3A_39, %dma_start3A_40] : memref<5120x128xf32, #tpu.memory_space<vmem_shared>> -> memref<5120x128xf32, #tpu.memory_space<vmem_shared>>
      tpu.enqueue_indirect_dma source(%arg9 : memref<128x128xf32, #tpu.memory_space<vmem>>) target(%dma_start3A_41 : memref<5120x128xf32, #tpu.memory_space<vmem_shared>>) offsets(%dma_start3A_38 : memref<128xi32, #tpu.memory_space<vmem>>) semaphore(%run_scoped3A_35 : memref<!tpu.dma_semaphore, #tpu.memory_space<semaphore_mem>>) {add = true}
      %dma_wait3A_42 = arith.constant 0 : i32
      %dma_wait3A_43 = tpu.memref_slice %arg8[%run_scoped3A, %dma_wait3A_42] : memref<158x128xi32, #tpu.memory_space<vmem>> -> memref<1x128xi32, #tpu.memory_space<vmem>>
      %dma_wait3A_44 = tpu.memref_squeeze %dma_wait3A_43 : memref<1x128xi32, #tpu.memory_space<vmem>> -> memref<128xi32, #tpu.memory_space<vmem>>
      %dma_wait3A_45 = arith.constant 0 : i32
      %dma_wait3A_46 = arith.constant 0 : i32
      %dma_wait3A_47 = tpu.memref_slice %arg11[%dma_wait3A_45, %dma_wait3A_46] : memref<5120x128xf32, #tpu.memory_space<vmem_shared>> -> memref<5120x128xf32, #tpu.memory_space<vmem_shared>>
      tpu.wait_indirect_dma semaphore(%run_scoped3A_35 : memref<!tpu.dma_semaphore, #tpu.memory_space<semaphore_mem>>) src(%arg9 : memref<128x128xf32, #tpu.memory_space<vmem>>) dst(%dma_wait3A_47 : memref<5120x128xf32, #tpu.memory_space<vmem_shared>>)
      tpu.yield
    }) : () -> ()
    %dma_wait3A_24 = arith.constant 157 : i32
    %dma_wait3A_25 = arith.constant 0 : i32
    %dma_wait3A_26 = tpu.memref_slice %arg7[%dma_wait3A_24, %dma_wait3A_25] : memref<158x128xi32, #tpu.memory_space<vmem>> -> memref<1x128xi32, #tpu.memory_space<vmem>>
    %dma_wait3A_27 = tpu.memref_squeeze %dma_wait3A_26 : memref<1x128xi32, #tpu.memory_space<vmem>> -> memref<128xi32, #tpu.memory_space<vmem>>
    %dma_wait3A_28 = arith.constant 0 : i32
    %dma_wait3A_29 = arith.constant 0 : i32
    %dma_wait3A_30 = tpu.memref_slice %arg2[%dma_wait3A_28, %dma_wait3A_29] : memref<10112x128xf32, #tpu.memory_space<hbm>> -> memref<10112x128xf32, #tpu.memory_space<hbm>>
    tpu.wait_indirect_dma semaphore(%arg13 : memref<!tpu.dma_semaphore, #tpu.memory_space<semaphore_mem>>) src(%dma_wait3A_30 : memref<10112x128xf32, #tpu.memory_space<hbm>>) dst(%arg10 : memref<128x128xf32, #tpu.memory_space<vmem>>)
    %run_scoped3A_31 = arith.constant 157 : i32
    "tpu.region"() ({
      %run_scoped3A_35 = tpu.sem_alloc : memref<!tpu.dma_semaphore, #tpu.memory_space<semaphore_mem>>
      %dma_start3A_36 = arith.constant 0 : i32
      %dma_start3A_37 = tpu.memref_slice %arg8[%run_scoped3A_31, %dma_start3A_36] : memref<158x128xi32, #tpu.memory_space<vmem>> -> memref<1x128xi32, #tpu.memory_space<vmem>>
      %dma_start3A_38 = tpu.memref_squeeze %dma_start3A_37 : memref<1x128xi32, #tpu.memory_space<vmem>> -> memref<128xi32, #tpu.memory_space<vmem>>
      %dma_start3A_39 = arith.constant 0 : i32
      %dma_start3A_40 = arith.constant 0 : i32
      %dma_start3A_41 = tpu.memref_slice %arg11[%dma_start3A_39, %dma_start3A_40] : memref<5120x128xf32, #tpu.memory_space<vmem_shared>> -> memref<5120x128xf32, #tpu.memory_space<vmem_shared>>
      tpu.enqueue_indirect_dma source(%arg10 : memref<128x128xf32, #tpu.memory_space<vmem>>) target(%dma_start3A_41 : memref<5120x128xf32, #tpu.memory_space<vmem_shared>>) offsets(%dma_start3A_38 : memref<128xi32, #tpu.memory_space<vmem>>) semaphore(%run_scoped3A_35 : memref<!tpu.dma_semaphore, #tpu.memory_space<semaphore_mem>>) {add = true}
      %dma_wait3A_42 = arith.constant 0 : i32
      %dma_wait3A_43 = tpu.memref_slice %arg8[%run_scoped3A_31, %dma_wait3A_42] : memref<158x128xi32, #tpu.memory_space<vmem>> -> memref<1x128xi32, #tpu.memory_space<vmem>>
      %dma_wait3A_44 = tpu.memref_squeeze %dma_wait3A_43 : memref<1x128xi32, #tpu.memory_space<vmem>> -> memref<128xi32, #tpu.memory_space<vmem>>
      %dma_wait3A_45 = arith.constant 0 : i32
      %dma_wait3A_46 = arith.constant 0 : i32
      %dma_wait3A_47 = tpu.memref_slice %arg11[%dma_wait3A_45, %dma_wait3A_46] : memref<5120x128xf32, #tpu.memory_space<vmem_shared>> -> memref<5120x128xf32, #tpu.memory_space<vmem_shared>>
      tpu.wait_indirect_dma semaphore(%run_scoped3A_35 : memref<!tpu.dma_semaphore, #tpu.memory_space<semaphore_mem>>) src(%arg10 : memref<128x128xf32, #tpu.memory_space<vmem>>) dst(%dma_wait3A_47 : memref<5120x128xf32, #tpu.memory_space<vmem_shared>>)
      tpu.yield
    }) : () -> ()
    %barrier3A_32 = arith.constant 0 : index
    tpu.barrier barrier_id(%barrier3A_32)
    %mul3A_33 = arith.constant 320 : i32
    %mul3A_34 = arith.muli %arg1, %mul3A_33 : i32
    "tpu.region"() ({
      %run_scoped3A_35 = tpu.sem_alloc : memref<!tpu.dma_semaphore, #tpu.memory_space<semaphore_mem>>
      %dma_start3A_36 = arith.constant 0 : i32
      %dma_start3A_37 = tpu.memref_slice %arg6[%arg0, %mul3A_34, %dma_start3A_36] : memref<2x5120x128xf32, #tpu.memory_space<hbm>> -> memref<1x320x128xf32, #tpu.memory_space<hbm>>
      %dma_start3A_38 = tpu.memref_squeeze %dma_start3A_37 : memref<1x320x128xf32, #tpu.memory_space<hbm>> -> memref<320x128xf32, #tpu.memory_space<hbm>>
      %dma_start3A_39 = arith.constant 0 : i32
      %dma_start3A_40 = tpu.memref_slice %arg11[%mul3A_34, %dma_start3A_39] : memref<5120x128xf32, #tpu.memory_space<vmem_shared>> -> memref<320x128xf32, #tpu.memory_space<vmem_shared>>
      tpu.enqueue_dma source(%dma_start3A_40 : memref<320x128xf32, #tpu.memory_space<vmem_shared>>) target(%dma_start3A_38 : memref<320x128xf32, #tpu.memory_space<hbm>>) target_semaphore(%run_scoped3A_35 : memref<!tpu.dma_semaphore, #tpu.memory_space<semaphore_mem>>)
      %dma_wait3A_41 = arith.constant 0 : i32
      %dma_wait3A_42 = tpu.memref_slice %arg6[%arg0, %mul3A_34, %dma_wait3A_41] : memref<2x5120x128xf32, #tpu.memory_space<hbm>> -> memref<1x320x128xf32, #tpu.memory_space<hbm>>
      %dma_wait3A_43 = tpu.memref_squeeze %dma_wait3A_42 : memref<1x320x128xf32, #tpu.memory_space<hbm>> -> memref<320x128xf32, #tpu.memory_space<hbm>>
      %dma_wait3A_44 = arith.constant 0 : i32
      %dma_wait3A_45 = tpu.memref_slice %arg11[%mul3A_34, %dma_wait3A_44] : memref<5120x128xf32, #tpu.memory_space<vmem_shared>> -> memref<320x128xf32, #tpu.memory_space<vmem_shared>>
      tpu.wait_dma2 semaphore(%run_scoped3A_35 : memref<!tpu.dma_semaphore, #tpu.memory_space<semaphore_mem>>) src(%dma_wait3A_45 : memref<320x128xf32, #tpu.memory_space<vmem_shared>>) dst(%dma_wait3A_43 : memref<320x128xf32, #tpu.memory_space<hbm>>)
      tpu.yield
    }) : () -> ()
    return
  }
}

#map = affine_map<(d0, d1) -> (0, 0, 0)>
#map1 = affine_map<(d0, d1) -> (0, 0)>
#map2 = affine_map<(d0, d1) -> (0, 0, 0, 0)>
module attributes {stable_mosaic.version = 14 : i64} {
  func.func @_deg_body(%arg0: i32, %arg1: i32, %arg2: memref<32x79x128xi32, #tpu.memory_space<hbm>>, %arg3: memref<32x79x128xi32, #tpu.memory_space<hbm>>, %arg4: memref<632x128xf32, #tpu.memory_space<hbm>>, %arg5: memref<2x2x10112x128xf32, #tpu.memory_space<hbm>>, %arg6: memref<79x128xi32, #tpu.memory_space<vmem>>, %arg7: memref<79x128xi32, #tpu.memory_space<vmem>>, %arg8: memref<128x128xf32, #tpu.memory_space<vmem>>, %arg9: memref<10112x128xf32, #tpu.memory_space<vmem_shared>>) attributes {dimension_semantics = [#tpu.dimension_semantics<core_parallel>, #tpu.dimension_semantics<subcore_parallel>], iteration_bounds = array<i64: 2, 16>, scalar_prefetch = 0 : i64, scratch_operands = 4 : i64, tpu.core_type = #tpu.core_type<sc_vector_subcore>, window_params = [{transform_indices = #map}, {transform_indices = #map}, {transform_indices = #map1}, {transform_indices = #map2}]} {
    %scan3A = arith.constant 0 : i32
    %scan3A_0 = arith.constant 128 : i32
    %scan3A_1 = arith.addi %scan3A, %scan3A_0 : i32
    %scan3A_2 = arith.constant 1 : i32
    scf.for %scan3A_23 = %scan3A to %scan3A_1 step %scan3A_2  : i32 {
      %mul3A_24 = arith.constant 1 : i32
      %mul3A_25 = arith.muli %scan3A_23, %mul3A_24 : i32
      %add3A_26 = arith.constant 0 : i32
      %add3A_27 = arith.addi %add3A_26, %mul3A_25 : i32
      %broadcast_in_dim3A = arith.constant 1.000000e+00 : f32
      %broadcast_in_dim3A_28 = vector.broadcast %broadcast_in_dim3A : f32 to vector<16xf32>
      %swap3A = arith.index_cast %add3A_27 : i32 to index
      %swap3A_29 = arith.constant 0 : index
      %swap3A_30 = tpu.vector_load %arg8[%swap3A, %swap3A_29] {strides = array<i32>} : memref<128x128xf32, #tpu.memory_space<vmem>>, vector<1x16xf32>,
      %swap3A_31 = vector.shape_cast %swap3A_30 : vector<1x16xf32> to vector<16xf32>
      %swap3A_32 = vector.shape_cast %broadcast_in_dim3A_28 : vector<16xf32> to vector<1x16xf32>
      tpu.vector_store %arg8[%swap3A, %swap3A_29], %swap3A_32 {strides = array<i32>} : memref<128x128xf32, #tpu.memory_space<vmem>>, vector<1x16xf32>,
      %broadcast_in_dim3A_33 = arith.constant 1.000000e+00 : f32
      %broadcast_in_dim3A_34 = vector.broadcast %broadcast_in_dim3A_33 : f32 to vector<16xf32>
      %swap3A_35 = arith.index_cast %add3A_27 : i32 to index
      %swap3A_36 = arith.constant 16 : index
      %swap3A_37 = tpu.vector_load %arg8[%swap3A_35, %swap3A_36] {strides = array<i32>} : memref<128x128xf32, #tpu.memory_space<vmem>>, vector<1x16xf32>,
      %swap3A_38 = vector.shape_cast %swap3A_37 : vector<1x16xf32> to vector<16xf32>
      %swap3A_39 = vector.shape_cast %broadcast_in_dim3A_34 : vector<16xf32> to vector<1x16xf32>
      tpu.vector_store %arg8[%swap3A_35, %swap3A_36], %swap3A_39 {strides = array<i32>} : memref<128x128xf32, #tpu.memory_space<vmem>>, vector<1x16xf32>,
      %broadcast_in_dim3A_40 = arith.constant 1.000000e+00 : f32
      %broadcast_in_dim3A_41 = vector.broadcast %broadcast_in_dim3A_40 : f32 to vector<16xf32>
      %swap3A_42 = arith.index_cast %add3A_27 : i32 to index
      %swap3A_43 = arith.constant 32 : index
      %swap3A_44 = tpu.vector_load %arg8[%swap3A_42, %swap3A_43] {strides = array<i32>} : memref<128x128xf32, #tpu.memory_space<vmem>>, vector<1x16xf32>,
      %swap3A_45 = vector.shape_cast %swap3A_44 : vector<1x16xf32> to vector<16xf32>
      %swap3A_46 = vector.shape_cast %broadcast_in_dim3A_41 : vector<16xf32> to vector<1x16xf32>
      tpu.vector_store %arg8[%swap3A_42, %swap3A_43], %swap3A_46 {strides = array<i32>} : memref<128x128xf32, #tpu.memory_space<vmem>>, vector<1x16xf32>,
      %broadcast_in_dim3A_47 = arith.constant 1.000000e+00 : f32
      %broadcast_in_dim3A_48 = vector.broadcast %broadcast_in_dim3A_47 : f32 to vector<16xf32>
      %swap3A_49 = arith.index_cast %add3A_27 : i32 to index
      %swap3A_50 = arith.constant 48 : index
      %swap3A_51 = tpu.vector_load %arg8[%swap3A_49, %swap3A_50] {strides = array<i32>} : memref<128x128xf32, #tpu.memory_space<vmem>>, vector<1x16xf32>,
      %swap3A_52 = vector.shape_cast %swap3A_51 : vector<1x16xf32> to vector<16xf32>
      %swap3A_53 = vector.shape_cast %broadcast_in_dim3A_48 : vector<16xf32> to vector<1x16xf32>
      tpu.vector_store %arg8[%swap3A_49, %swap3A_50], %swap3A_53 {strides = array<i32>} : memref<128x128xf32, #tpu.memory_space<vmem>>, vector<1x16xf32>,
      %broadcast_in_dim3A_54 = arith.constant 1.000000e+00 : f32
      %broadcast_in_dim3A_55 = vector.broadcast %broadcast_in_dim3A_54 : f32 to vector<16xf32>
      %swap3A_56 = arith.index_cast %add3A_27 : i32 to index
      %swap3A_57 = arith.constant 64 : index
      %swap3A_58 = tpu.vector_load %arg8[%swap3A_56, %swap3A_57] {strides = array<i32>} : memref<128x128xf32, #tpu.memory_space<vmem>>, vector<1x16xf32>,
      %swap3A_59 = vector.shape_cast %swap3A_58 : vector<1x16xf32> to vector<16xf32>
      %swap3A_60 = vector.shape_cast %broadcast_in_dim3A_55 : vector<16xf32> to vector<1x16xf32>
      tpu.vector_store %arg8[%swap3A_56, %swap3A_57], %swap3A_60 {strides = array<i32>} : memref<128x128xf32, #tpu.memory_space<vmem>>, vector<1x16xf32>,
      %broadcast_in_dim3A_61 = arith.constant 1.000000e+00 : f32
      %broadcast_in_dim3A_62 = vector.broadcast %broadcast_in_dim3A_61 : f32 to vector<16xf32>
      %swap3A_63 = arith.index_cast %add3A_27 : i32 to index
      %swap3A_64 = arith.constant 80 : index
      %swap3A_65 = tpu.vector_load %arg8[%swap3A_63, %swap3A_64] {strides = array<i32>} : memref<128x128xf32, #tpu.memory_space<vmem>>, vector<1x16xf32>,
      %swap3A_66 = vector.shape_cast %swap3A_65 : vector<1x16xf32> to vector<16xf32>
      %swap3A_67 = vector.shape_cast %broadcast_in_dim3A_62 : vector<16xf32> to vector<1x16xf32>
      tpu.vector_store %arg8[%swap3A_63, %swap3A_64], %swap3A_67 {strides = array<i32>} : memref<128x128xf32, #tpu.memory_space<vmem>>, vector<1x16xf32>,
      %broadcast_in_dim3A_68 = arith.constant 1.000000e+00 : f32
      %broadcast_in_dim3A_69 = vector.broadcast %broadcast_in_dim3A_68 : f32 to vector<16xf32>
      %swap3A_70 = arith.index_cast %add3A_27 : i32 to index
      %swap3A_71 = arith.constant 96 : index
      %swap3A_72 = tpu.vector_load %arg8[%swap3A_70, %swap3A_71] {strides = array<i32>} : memref<128x128xf32, #tpu.memory_space<vmem>>, vector<1x16xf32>,
      %swap3A_73 = vector.shape_cast %swap3A_72 : vector<1x16xf32> to vector<16xf32>
      %swap3A_74 = vector.shape_cast %broadcast_in_dim3A_69 : vector<16xf32> to vector<1x16xf32>
      tpu.vector_store %arg8[%swap3A_70, %swap3A_71], %swap3A_74 {strides = array<i32>} : memref<128x128xf32, #tpu.memory_space<vmem>>, vector<1x16xf32>,
      %broadcast_in_dim3A_75 = arith.constant 1.000000e+00 : f32
      %broadcast_in_dim3A_76 = vector.broadcast %broadcast_in_dim3A_75 : f32 to vector<16xf32>
      %swap3A_77 = arith.index_cast %add3A_27 : i32 to index
      %swap3A_78 = arith.constant 112 : index
      %swap3A_79 = tpu.vector_load %arg8[%swap3A_77, %swap3A_78] {strides = array<i32>} : memref<128x128xf32, #tpu.memory_space<vmem>>, vector<1x16xf32>,
      %swap3A_80 = vector.shape_cast %swap3A_79 : vector<1x16xf32> to vector<16xf32>
      %swap3A_81 = vector.shape_cast %broadcast_in_dim3A_76 : vector<16xf32> to vector<1x16xf32>
      tpu.vector_store %arg8[%swap3A_77, %swap3A_78], %swap3A_81 {strides = array<i32>} : memref<128x128xf32, #tpu.memory_space<vmem>>, vector<1x16xf32>,
    }
    %scan3A_3 = arith.constant 128 : i32
    %mul3A = arith.constant 16 : i32
    %mul3A_4 = arith.muli %arg0, %mul3A : i32
    %add3A = arith.addi %mul3A_4, %arg1 : i32
    "tpu.region"() ({
      %run_scoped3A_23 = tpu.sem_alloc : memref<!tpu.dma_semaphore, #tpu.memory_space<semaphore_mem>>
      %dma_start3A = arith.constant 0 : i32
      %dma_start3A_24 = arith.constant 0 : i32
      %dma_start3A_25 = tpu.memref_slice %arg2[%add3A, %dma_start3A, %dma_start3A_24] : memref<32x79x128xi32, #tpu.memory_space<hbm>> -> memref<1x79x128xi32, #tpu.memory_space<hbm>>
      %dma_start3A_26 = tpu.memref_squeeze %dma_start3A_25 : memref<1x79x128xi32, #tpu.memory_space<hbm>> -> memref<79x128xi32, #tpu.memory_space<hbm>>
      %dma_start3A_27 = arith.constant 0 : i32
      %dma_start3A_28 = arith.constant 0 : i32
      %dma_start3A_29 = tpu.memref_slice %arg2[%add3A, %dma_start3A_27, %dma_start3A_28] : memref<32x79x128xi32, #tpu.memory_space<hbm>> -> memref<1x79x128xi32, #tpu.memory_space<hbm>>
      %dma_start3A_30 = tpu.memref_squeeze %dma_start3A_29 : memref<1x79x128xi32, #tpu.memory_space<hbm>> -> memref<79x128xi32, #tpu.memory_space<hbm>>
      tpu.enqueue_dma source(%dma_start3A_30 : memref<79x128xi32, #tpu.memory_space<hbm>>) target(%arg6 : memref<79x128xi32, #tpu.memory_space<vmem>>) target_semaphore(%run_scoped3A_23 : memref<!tpu.dma_semaphore, #tpu.memory_space<semaphore_mem>>)
      %dma_wait3A = arith.constant 0 : i32
      %dma_wait3A_31 = arith.constant 0 : i32
      %dma_wait3A_32 = tpu.memref_slice %arg2[%add3A, %dma_wait3A, %dma_wait3A_31] : memref<32x79x128xi32, #tpu.memory_space<hbm>> -> memref<1x79x128xi32, #tpu.memory_space<hbm>>
      %dma_wait3A_33 = tpu.memref_squeeze %dma_wait3A_32 : memref<1x79x128xi32, #tpu.memory_space<hbm>> -> memref<79x128xi32, #tpu.memory_space<hbm>>
      %dma_wait3A_34 = arith.constant 0 : i32
      %dma_wait3A_35 = arith.constant 0 : i32
      %dma_wait3A_36 = tpu.memref_slice %arg2[%add3A, %dma_wait3A_34, %dma_wait3A_35] : memref<32x79x128xi32, #tpu.memory_space<hbm>> -> memref<1x79x128xi32, #tpu.memory_space<hbm>>
      %dma_wait3A_37 = tpu.memref_squeeze %dma_wait3A_36 : memref<1x79x128xi32, #tpu.memory_space<hbm>> -> memref<79x128xi32, #tpu.memory_space<hbm>>
      tpu.wait_dma2 semaphore(%run_scoped3A_23 : memref<!tpu.dma_semaphore, #tpu.memory_space<semaphore_mem>>) src(%dma_wait3A_37 : memref<79x128xi32, #tpu.memory_space<hbm>>) dst(%arg6 : memref<79x128xi32, #tpu.memory_space<vmem>>)
      tpu.yield
    }) : () -> ()
    "tpu.region"() ({
      %run_scoped3A_23 = tpu.sem_alloc : memref<!tpu.dma_semaphore, #tpu.memory_space<semaphore_mem>>
      %dma_start3A = arith.constant 0 : i32
      %dma_start3A_24 = arith.constant 0 : i32
      %dma_start3A_25 = tpu.memref_slice %arg3[%add3A, %dma_start3A, %dma_start3A_24] : memref<32x79x128xi32, #tpu.memory_space<hbm>> -> memref<1x79x128xi32, #tpu.memory_space<hbm>>
      %dma_start3A_26 = tpu.memref_squeeze %dma_start3A_25 : memref<1x79x128xi32, #tpu.memory_space<hbm>> -> memref<79x128xi32, #tpu.memory_space<hbm>>
      %dma_start3A_27 = arith.constant 0 : i32
      %dma_start3A_28 = arith.constant 0 : i32
      %dma_start3A_29 = tpu.memref_slice %arg3[%add3A, %dma_start3A_27, %dma_start3A_28] : memref<32x79x128xi32, #tpu.memory_space<hbm>> -> memref<1x79x128xi32, #tpu.memory_space<hbm>>
      %dma_start3A_30 = tpu.memref_squeeze %dma_start3A_29 : memref<1x79x128xi32, #tpu.memory_space<hbm>> -> memref<79x128xi32, #tpu.memory_space<hbm>>
      tpu.enqueue_dma source(%dma_start3A_30 : memref<79x128xi32, #tpu.memory_space<hbm>>) target(%arg7 : memref<79x128xi32, #tpu.memory_space<vmem>>) target_semaphore(%run_scoped3A_23 : memref<!tpu.dma_semaphore, #tpu.memory_space<semaphore_mem>>)
      %dma_wait3A = arith.constant 0 : i32
      %dma_wait3A_31 = arith.constant 0 : i32
      %dma_wait3A_32 = tpu.memref_slice %arg3[%add3A, %dma_wait3A, %dma_wait3A_31] : memref<32x79x128xi32, #tpu.memory_space<hbm>> -> memref<1x79x128xi32, #tpu.memory_space<hbm>>
      %dma_wait3A_33 = tpu.memref_squeeze %dma_wait3A_32 : memref<1x79x128xi32, #tpu.memory_space<hbm>> -> memref<79x128xi32, #tpu.memory_space<hbm>>
      %dma_wait3A_34 = arith.constant 0 : i32
      %dma_wait3A_35 = arith.constant 0 : i32
      %dma_wait3A_36 = tpu.memref_slice %arg3[%add3A, %dma_wait3A_34, %dma_wait3A_35] : memref<32x79x128xi32, #tpu.memory_space<hbm>> -> memref<1x79x128xi32, #tpu.memory_space<hbm>>
      %dma_wait3A_37 = tpu.memref_squeeze %dma_wait3A_36 : memref<1x79x128xi32, #tpu.memory_space<hbm>> -> memref<79x128xi32, #tpu.memory_space<hbm>>
      tpu.wait_dma2 semaphore(%run_scoped3A_23 : memref<!tpu.dma_semaphore, #tpu.memory_space<semaphore_mem>>) src(%dma_wait3A_37 : memref<79x128xi32, #tpu.memory_space<hbm>>) dst(%arg7 : memref<79x128xi32, #tpu.memory_space<vmem>>)
      tpu.yield
    }) : () -> ()
    %mul3A_5 = arith.constant 632 : i32
    %mul3A_6 = arith.muli %arg1, %mul3A_5 : i32
    "tpu.region"() ({
      %run_scoped3A_23 = tpu.sem_alloc : memref<!tpu.dma_semaphore, #tpu.memory_space<semaphore_mem>>
      %dma_start3A = arith.constant 0 : i32
      %dma_start3A_24 = tpu.memref_slice %arg9[%mul3A_6, %dma_start3A] : memref<10112x128xf32, #tpu.memory_space<vmem_shared>> -> memref<632x128xf32, #tpu.memory_space<vmem_shared>>
      tpu.enqueue_dma source(%arg4 : memref<632x128xf32, #tpu.memory_space<hbm>>) target(%dma_start3A_24 : memref<632x128xf32, #tpu.memory_space<vmem_shared>>) target_semaphore(%run_scoped3A_23 : memref<!tpu.dma_semaphore, #tpu.memory_space<semaphore_mem>>)
      %dma_wait3A = arith.constant 0 : i32
      %dma_wait3A_25 = tpu.memref_slice %arg9[%mul3A_6, %dma_wait3A] : memref<10112x128xf32, #tpu.memory_space<vmem_shared>> -> memref<632x128xf32, #tpu.memory_space<vmem_shared>>
      tpu.wait_dma2 semaphore(%run_scoped3A_23 : memref<!tpu.dma_semaphore, #tpu.memory_space<semaphore_mem>>) src(%arg4 : memref<632x128xf32, #tpu.memory_space<hbm>>) dst(%dma_wait3A_25 : memref<632x128xf32, #tpu.memory_space<vmem_shared>>)
      tpu.yield
    }) : () -> ()
    %barrier3A = arith.constant 0 : index
    tpu.barrier barrier_id(%barrier3A)
    %scan3A_7 = arith.constant 0 : i32
    %scan3A_8 = arith.constant 79 : i32
    %scan3A_9 = arith.addi %scan3A_7, %scan3A_8 : i32
    %scan3A_10 = arith.constant 1 : i32
    scf.for %scan3A_23 = %scan3A_7 to %scan3A_9 step %scan3A_10  : i32 {
      %mul3A_24 = arith.constant 1 : i32
      %mul3A_25 = arith.muli %scan3A_23, %mul3A_24 : i32
      %add3A_26 = arith.constant 0 : i32
      %add3A_27 = arith.addi %add3A_26, %mul3A_25 : i32
      "tpu.region"() ({
        %run_scoped3A_28 = tpu.sem_alloc : memref<!tpu.dma_semaphore, #tpu.memory_space<semaphore_mem>>
        %dma_start3A = arith.constant 0 : i32
        %dma_start3A_29 = tpu.memref_slice %arg6[%add3A_27, %dma_start3A] : memref<79x128xi32, #tpu.memory_space<vmem>> -> memref<1x128xi32, #tpu.memory_space<vmem>>
        %dma_start3A_30 = tpu.memref_squeeze %dma_start3A_29 : memref<1x128xi32, #tpu.memory_space<vmem>> -> memref<128xi32, #tpu.memory_space<vmem>>
        %dma_start3A_31 = arith.constant 0 : i32
        %dma_start3A_32 = arith.constant 0 : i32
        %dma_start3A_33 = tpu.memref_slice %arg9[%dma_start3A_31, %dma_start3A_32] : memref<10112x128xf32, #tpu.memory_space<vmem_shared>> -> memref<10112x128xf32, #tpu.memory_space<vmem_shared>>
        tpu.enqueue_indirect_dma source(%arg8 : memref<128x128xf32, #tpu.memory_space<vmem>>) target(%dma_start3A_33 : memref<10112x128xf32, #tpu.memory_space<vmem_shared>>) offsets(%dma_start3A_30 : memref<128xi32, #tpu.memory_space<vmem>>) semaphore(%run_scoped3A_28 : memref<!tpu.dma_semaphore, #tpu.memory_space<semaphore_mem>>) {add = true}
        %dma_wait3A = arith.constant 0 : i32
        %dma_wait3A_34 = tpu.memref_slice %arg6[%add3A_27, %dma_wait3A] : memref<79x128xi32, #tpu.memory_space<vmem>> -> memref<1x128xi32, #tpu.memory_space<vmem>>
        %dma_wait3A_35 = tpu.memref_squeeze %dma_wait3A_34 : memref<1x128xi32, #tpu.memory_space<vmem>> -> memref<128xi32, #tpu.memory_space<vmem>>
        %dma_wait3A_36 = arith.constant 0 : i32
        %dma_wait3A_37 = arith.constant 0 : i32
        %dma_wait3A_38 = tpu.memref_slice %arg9[%dma_wait3A_36, %dma_wait3A_37] : memref<10112x128xf32, #tpu.memory_space<vmem_shared>> -> memref<10112x128xf32, #tpu.memory_space<vmem_shared>>
        tpu.wait_indirect_dma semaphore(%run_scoped3A_28 : memref<!tpu.dma_semaphore, #tpu.memory_space<semaphore_mem>>) src(%arg8 : memref<128x128xf32, #tpu.memory_space<vmem>>) dst(%dma_wait3A_38 : memref<10112x128xf32, #tpu.memory_space<vmem_shared>>)
        tpu.yield
      }) : () -> ()
    }
    %scan3A_11 = arith.constant 79 : i32
    %barrier3A_12 = arith.constant 0 : index
    tpu.barrier barrier_id(%barrier3A_12)
    %run_scoped3A = arith.constant 0 : i32
    "tpu.region"() ({
      %run_scoped3A_23 = tpu.sem_alloc : memref<!tpu.dma_semaphore, #tpu.memory_space<semaphore_mem>>
      %dma_start3A = arith.constant 0 : i32
      %dma_start3A_24 = tpu.memref_slice %arg5[%arg0, %run_scoped3A, %mul3A_6, %dma_start3A] : memref<2x2x10112x128xf32, #tpu.memory_space<hbm>> -> memref<1x1x632x128xf32, #tpu.memory_space<hbm>>
      %dma_start3A_25 = tpu.memref_squeeze %dma_start3A_24 : memref<1x1x632x128xf32, #tpu.memory_space<hbm>> -> memref<632x128xf32, #tpu.memory_space<hbm>>
      %dma_start3A_26 = arith.constant 0 : i32
      %dma_start3A_27 = tpu.memref_slice %arg9[%mul3A_6, %dma_start3A_26] : memref<10112x128xf32, #tpu.memory_space<vmem_shared>> -> memref<632x128xf32, #tpu.memory_space<vmem_shared>>
      tpu.enqueue_dma source(%dma_start3A_27 : memref<632x128xf32, #tpu.memory_space<vmem_shared>>) target(%dma_start3A_25 : memref<632x128xf32, #tpu.memory_space<hbm>>) target_semaphore(%run_scoped3A_23 : memref<!tpu.dma_semaphore, #tpu.memory_space<semaphore_mem>>)
      %dma_wait3A = arith.constant 0 : i32
      %dma_wait3A_28 = tpu.memref_slice %arg5[%arg0, %run_scoped3A, %mul3A_6, %dma_wait3A] : memref<2x2x10112x128xf32, #tpu.memory_space<hbm>> -> memref<1x1x632x128xf32, #tpu.memory_space<hbm>>
      %dma_wait3A_29 = tpu.memref_squeeze %dma_wait3A_28 : memref<1x1x632x128xf32, #tpu.memory_space<hbm>> -> memref<632x128xf32, #tpu.memory_space<hbm>>
      %dma_wait3A_30 = arith.constant 0 : i32
      %dma_wait3A_31 = tpu.memref_slice %arg9[%mul3A_6, %dma_wait3A_30] : memref<10112x128xf32, #tpu.memory_space<vmem_shared>> -> memref<632x128xf32, #tpu.memory_space<vmem_shared>>
      tpu.wait_dma2 semaphore(%run_scoped3A_23 : memref<!tpu.dma_semaphore, #tpu.memory_space<semaphore_mem>>) src(%dma_wait3A_31 : memref<632x128xf32, #tpu.memory_space<vmem_shared>>) dst(%dma_wait3A_29 : memref<632x128xf32, #tpu.memory_space<hbm>>)
      tpu.yield
    }) : () -> ()
    %barrier3A_13 = arith.constant 0 : index
    tpu.barrier barrier_id(%barrier3A_13)
    "tpu.region"() ({
      %run_scoped3A_23 = tpu.sem_alloc : memref<!tpu.dma_semaphore, #tpu.memory_space<semaphore_mem>>
      %dma_start3A = arith.constant 0 : i32
      %dma_start3A_24 = tpu.memref_slice %arg9[%mul3A_6, %dma_start3A] : memref<10112x128xf32, #tpu.memory_space<vmem_shared>> -> memref<632x128xf32, #tpu.memory_space<vmem_shared>>
      tpu.enqueue_dma source(%arg4 : memref<632x128xf32, #tpu.memory_space<hbm>>) target(%dma_start3A_24 : memref<632x128xf32, #tpu.memory_space<vmem_shared>>) target_semaphore(%run_scoped3A_23 : memref<!tpu.dma_semaphore, #tpu.memory_space<semaphore_mem>>)
      %dma_wait3A = arith.constant 0 : i32
      %dma_wait3A_25 = tpu.memref_slice %arg9[%mul3A_6, %dma_wait3A] : memref<10112x128xf32, #tpu.memory_space<vmem_shared>> -> memref<632x128xf32, #tpu.memory_space<vmem_shared>>
      tpu.wait_dma2 semaphore(%run_scoped3A_23 : memref<!tpu.dma_semaphore, #tpu.memory_space<semaphore_mem>>) src(%arg4 : memref<632x128xf32, #tpu.memory_space<hbm>>) dst(%dma_wait3A_25 : memref<632x128xf32, #tpu.memory_space<vmem_shared>>)
      tpu.yield
    }) : () -> ()
    %barrier3A_14 = arith.constant 0 : index
    tpu.barrier barrier_id(%barrier3A_14)
    %scan3A_15 = arith.constant 0 : i32
    %scan3A_16 = arith.constant 79 : i32
    %scan3A_17 = arith.addi %scan3A_15, %scan3A_16 : i32
    %scan3A_18 = arith.constant 1 : i32
    scf.for %scan3A_23 = %scan3A_15 to %scan3A_17 step %scan3A_18  : i32 {
      %mul3A_24 = arith.constant 1 : i32
      %mul3A_25 = arith.muli %scan3A_23, %mul3A_24 : i32
      %add3A_26 = arith.constant 0 : i32
      %add3A_27 = arith.addi %add3A_26, %mul3A_25 : i32
      "tpu.region"() ({
        %run_scoped3A_28 = tpu.sem_alloc : memref<!tpu.dma_semaphore, #tpu.memory_space<semaphore_mem>>
        %dma_start3A = arith.constant 0 : i32
        %dma_start3A_29 = tpu.memref_slice %arg7[%add3A_27, %dma_start3A] : memref<79x128xi32, #tpu.memory_space<vmem>> -> memref<1x128xi32, #tpu.memory_space<vmem>>
        %dma_start3A_30 = tpu.memref_squeeze %dma_start3A_29 : memref<1x128xi32, #tpu.memory_space<vmem>> -> memref<128xi32, #tpu.memory_space<vmem>>
        %dma_start3A_31 = arith.constant 0 : i32
        %dma_start3A_32 = arith.constant 0 : i32
        %dma_start3A_33 = tpu.memref_slice %arg9[%dma_start3A_31, %dma_start3A_32] : memref<10112x128xf32, #tpu.memory_space<vmem_shared>> -> memref<10112x128xf32, #tpu.memory_space<vmem_shared>>
        tpu.enqueue_indirect_dma source(%arg8 : memref<128x128xf32, #tpu.memory_space<vmem>>) target(%dma_start3A_33 : memref<10112x128xf32, #tpu.memory_space<vmem_shared>>) offsets(%dma_start3A_30 : memref<128xi32, #tpu.memory_space<vmem>>) semaphore(%run_scoped3A_28 : memref<!tpu.dma_semaphore, #tpu.memory_space<semaphore_mem>>) {add = true}
        %dma_wait3A = arith.constant 0 : i32
        %dma_wait3A_34 = tpu.memref_slice %arg7[%add3A_27, %dma_wait3A] : memref<79x128xi32, #tpu.memory_space<vmem>> -> memref<1x128xi32, #tpu.memory_space<vmem>>
        %dma_wait3A_35 = tpu.memref_squeeze %dma_wait3A_34 : memref<1x128xi32, #tpu.memory_space<vmem>> -> memref<128xi32, #tpu.memory_space<vmem>>
        %dma_wait3A_36 = arith.constant 0 : i32
        %dma_wait3A_37 = arith.constant 0 : i32
        %dma_wait3A_38 = tpu.memref_slice %arg9[%dma_wait3A_36, %dma_wait3A_37] : memref<10112x128xf32, #tpu.memory_space<vmem_shared>> -> memref<10112x128xf32, #tpu.memory_space<vmem_shared>>
        tpu.wait_indirect_dma semaphore(%run_scoped3A_28 : memref<!tpu.dma_semaphore, #tpu.memory_space<semaphore_mem>>) src(%arg8 : memref<128x128xf32, #tpu.memory_space<vmem>>) dst(%dma_wait3A_38 : memref<10112x128xf32, #tpu.memory_space<vmem_shared>>)
        tpu.yield
      }) : () -> ()
    }
    %scan3A_19 = arith.constant 79 : i32
    %barrier3A_20 = arith.constant 0 : index
    tpu.barrier barrier_id(%barrier3A_20)
    %run_scoped3A_21 = arith.constant 1 : i32
    "tpu.region"() ({
      %run_scoped3A_23 = tpu.sem_alloc : memref<!tpu.dma_semaphore, #tpu.memory_space<semaphore_mem>>
      %dma_start3A = arith.constant 0 : i32
      %dma_start3A_24 = tpu.memref_slice %arg5[%arg0, %run_scoped3A_21, %mul3A_6, %dma_start3A] : memref<2x2x10112x128xf32, #tpu.memory_space<hbm>> -> memref<1x1x632x128xf32, #tpu.memory_space<hbm>>
      %dma_start3A_25 = tpu.memref_squeeze %dma_start3A_24 : memref<1x1x632x128xf32, #tpu.memory_space<hbm>> -> memref<632x128xf32, #tpu.memory_space<hbm>>
      %dma_start3A_26 = arith.constant 0 : i32
      %dma_start3A_27 = tpu.memref_slice %arg9[%mul3A_6, %dma_start3A_26] : memref<10112x128xf32, #tpu.memory_space<vmem_shared>> -> memref<632x128xf32, #tpu.memory_space<vmem_shared>>
      tpu.enqueue_dma source(%dma_start3A_27 : memref<632x128xf32, #tpu.memory_space<vmem_shared>>) target(%dma_start3A_25 : memref<632x128xf32, #tpu.memory_space<hbm>>) target_semaphore(%run_scoped3A_23 : memref<!tpu.dma_semaphore, #tpu.memory_space<semaphore_mem>>)
      %dma_wait3A = arith.constant 0 : i32
      %dma_wait3A_28 = tpu.memref_slice %arg5[%arg0, %run_scoped3A_21, %mul3A_6, %dma_wait3A] : memref<2x2x10112x128xf32, #tpu.memory_space<hbm>> -> memref<1x1x632x128xf32, #tpu.memory_space<hbm>>
      %dma_wait3A_29 = tpu.memref_squeeze %dma_wait3A_28 : memref<1x1x632x128xf32, #tpu.memory_space<hbm>> -> memref<632x128xf32, #tpu.memory_space<hbm>>
      %dma_wait3A_30 = arith.constant 0 : i32
      %dma_wait3A_31 = tpu.memref_slice %arg9[%mul3A_6, %dma_wait3A_30] : memref<10112x128xf32, #tpu.memory_space<vmem_shared>> -> memref<632x128xf32, #tpu.memory_space<vmem_shared>>
      tpu.wait_dma2 semaphore(%run_scoped3A_23 : memref<!tpu.dma_semaphore, #tpu.memory_space<semaphore_mem>>) src(%dma_wait3A_31 : memref<632x128xf32, #tpu.memory_space<vmem_shared>>) dst(%dma_wait3A_29 : memref<632x128xf32, #tpu.memory_space<hbm>>)
      tpu.yield
    }) : () -> ()
    %barrier3A_22 = arith.constant 0 : index
    tpu.barrier barrier_id(%barrier3A_22)
    return
  }
}

module attributes {stable_mosaic.version = 14 : i64} {
  func.func @_prep_body(%arg0: memref<10000x128xf32, #tpu.memory_space<vmem>>, %arg1: memref<128x128xf32, #tpu.memory_space<vmem>>, %arg2: memref<2x2x10112x128xf32, #tpu.memory_space<vmem>>, %arg3: memref<16x158x128xi32, #tpu.memory_space<vmem>>, %arg4: memref<10112x128xf32, #tpu.memory_space<vmem>>, %arg5: memref<10112x1xf32, #tpu.memory_space<vmem>>, %arg6: memref<10112x1xf32, #tpu.memory_space<vmem>>, %arg7: memref<2x16x158x128xi32, #tpu.memory_space<vmem>>) attributes {dimension_semantics = [], scalar_prefetch = 0 : i64, scratch_operands = 0 : i64, tpu.core_type = #tpu.core_type<tc>} {
    %get3A = arith.constant 0 : index
    %get3A_0 = arith.constant 0 : index
    %get3A_1 = arith.constant 0 : index
    %get3A_2 = arith.constant 0 : index
    %get3A_3 = vector.load %arg2[%get3A, %get3A_0, %get3A_1, %get3A_2] : memref<2x2x10112x128xf32, #tpu.memory_space<vmem>>, vector<1x1x10112x1xf32>
    %get3A_4 = vector.shape_cast %get3A_3 : vector<1x1x10112x1xf32> to vector<10112x1xf32>
    %get3A_5 = arith.constant 1 : index
    %get3A_6 = arith.constant 0 : index
    %get3A_7 = arith.constant 0 : index
    %get3A_8 = arith.constant 0 : index
    %get3A_9 = vector.load %arg2[%get3A_5, %get3A_6, %get3A_7, %get3A_8] : memref<2x2x10112x128xf32, #tpu.memory_space<vmem>>, vector<1x1x10112x1xf32>
    %get3A_10 = vector.shape_cast %get3A_9 : vector<1x1x10112x1xf32> to vector<10112x1xf32>
    %add3A = arith.addf %get3A_4, %get3A_10 : vector<10112x1xf32>
    %get3A_11 = arith.constant 0 : index
    %get3A_12 = arith.constant 1 : index
    %get3A_13 = arith.constant 0 : index
    %get3A_14 = arith.constant 0 : index
    %get3A_15 = vector.load %arg2[%get3A_11, %get3A_12, %get3A_13, %get3A_14] : memref<2x2x10112x128xf32, #tpu.memory_space<vmem>>, vector<1x1x10112x1xf32>
    %get3A_16 = vector.shape_cast %get3A_15 : vector<1x1x10112x1xf32> to vector<10112x1xf32>
    %get3A_17 = arith.constant 1 : index
    %get3A_18 = arith.constant 1 : index
    %get3A_19 = arith.constant 0 : index
    %get3A_20 = arith.constant 0 : index
    %get3A_21 = vector.load %arg2[%get3A_17, %get3A_18, %get3A_19, %get3A_20] : memref<2x2x10112x128xf32, #tpu.memory_space<vmem>>, vector<1x1x10112x1xf32>
    %get3A_22 = vector.shape_cast %get3A_21 : vector<1x1x10112x1xf32> to vector<10112x1xf32>
    %add3A_23 = arith.addf %get3A_16, %get3A_22 : vector<10112x1xf32>
    %max3A = arith.constant 1.000000e+00 : f32
    %max3A_24 = vector.broadcast %max3A : f32 to vector<10112x1xf32>
    %max3A_25 = arith.maximumf %add3A, %max3A_24 : vector<10112x1xf32>
    %rsqrt3A = math.rsqrt %max3A_25 : vector<10112x1xf32>
    %max3A_26 = arith.constant 1.000000e+00 : f32
    %max3A_27 = vector.broadcast %max3A_26 : f32 to vector<10112x1xf32>
    %max3A_28 = arith.maximumf %add3A_23, %max3A_27 : vector<10112x1xf32>
    %rsqrt3A_29 = math.rsqrt %max3A_28 : vector<10112x1xf32>
    %swap3A = arith.constant 0 : index
    %swap3A_30 = arith.constant 0 : index
    %swap3A_31 = vector.load %arg5[%swap3A, %swap3A_30] : memref<10112x1xf32, #tpu.memory_space<vmem>>, vector<10112x1xf32>
    tpu.vector_store %arg5[%swap3A, %swap3A_30], %rsqrt3A {strides = array<i32>} : memref<10112x1xf32, #tpu.memory_space<vmem>>, vector<10112x1xf32>,
    %swap3A_32 = arith.constant 0 : index
    %swap3A_33 = arith.constant 0 : index
    %swap3A_34 = vector.load %arg6[%swap3A_32, %swap3A_33] : memref<10112x1xf32, #tpu.memory_space<vmem>>, vector<10112x1xf32>
    tpu.vector_store %arg6[%swap3A_32, %swap3A_33], %rsqrt3A_29 {strides = array<i32>} : memref<10112x1xf32, #tpu.memory_space<vmem>>, vector<10112x1xf32>,
    %get3A_35 = arith.constant 0 : index
    %get3A_36 = arith.constant 0 : index
    %get3A_37 = arith.constant 0 : index
    %get3A_38 = vector.load %arg3[%get3A_35, %get3A_36, %get3A_37] : memref<16x158x128xi32, #tpu.memory_space<vmem>>, vector<16x158x128xi32>
    %sub3A = arith.constant 0 : i32
    %sub3A_39 = vector.broadcast %sub3A : i32 to vector<16x158x128xi32>
    %sub3A_40 = arith.subi %get3A_38, %sub3A_39 : vector<16x158x128xi32>
    %ge3A = arith.constant 0 : i32
    %ge3A_41 = vector.broadcast %ge3A : i32 to vector<16x158x128xi32>
    %ge3A_42 = arith.cmpi sge, %sub3A_40, %ge3A_41 : vector<16x158x128xi32>
    %lt3A = arith.constant 5056 : i32
    %lt3A_43 = vector.broadcast %lt3A : i32 to vector<16x158x128xi32>
    %lt3A_44 = arith.cmpi slt, %sub3A_40, %lt3A_43 : vector<16x158x128xi32>
    %and3A = arith.andi %ge3A_42, %lt3A_44 : vector<16x158x128xi1>
    %jit3A = arith.constant 5056 : i32
    %broadcast_in_dim3A = vector.broadcast %jit3A : i32 to vector<16x158x128xi32>
    %select_n3A = arith.select %and3A, %sub3A_40, %broadcast_in_dim3A : vector<16x158x128xi1>, vector<16x158x128xi32>
    %swap3A_45 = arith.constant 0 : index
    %swap3A_46 = arith.constant 0 : index
    %swap3A_47 = arith.constant 0 : index
    %swap3A_48 = arith.constant 0 : index
    %swap3A_49 = vector.load %arg7[%swap3A_45, %swap3A_46, %swap3A_47, %swap3A_48] : memref<2x16x158x128xi32, #tpu.memory_space<vmem>>, vector<1x16x158x128xi32>
    %swap3A_50 = vector.shape_cast %swap3A_49 : vector<1x16x158x128xi32> to vector<16x158x128xi32>
    %swap3A_51 = vector.shape_cast %select_n3A : vector<16x158x128xi32> to vector<1x16x158x128xi32>
    tpu.vector_store %arg7[%swap3A_45, %swap3A_46, %swap3A_47, %swap3A_48], %swap3A_51 {strides = array<i32>} : memref<2x16x158x128xi32, #tpu.memory_space<vmem>>, vector<1x16x158x128xi32>,
    %sub3A_52 = arith.constant 5056 : i32
    %sub3A_53 = vector.broadcast %sub3A_52 : i32 to vector<16x158x128xi32>
    %sub3A_54 = arith.subi %get3A_38, %sub3A_53 : vector<16x158x128xi32>
    %ge3A_55 = arith.constant 0 : i32
    %ge3A_56 = vector.broadcast %ge3A_55 : i32 to vector<16x158x128xi32>
    %ge3A_57 = arith.cmpi sge, %sub3A_54, %ge3A_56 : vector<16x158x128xi32>
    %lt3A_58 = arith.constant 5056 : i32
    %lt3A_59 = vector.broadcast %lt3A_58 : i32 to vector<16x158x128xi32>
    %lt3A_60 = arith.cmpi slt, %sub3A_54, %lt3A_59 : vector<16x158x128xi32>
    %and3A_61 = arith.andi %ge3A_57, %lt3A_60 : vector<16x158x128xi1>
    %jit3A_62 = arith.constant 5056 : i32
    %broadcast_in_dim3A_63 = vector.broadcast %jit3A_62 : i32 to vector<16x158x128xi32>
    %select_n3A_64 = arith.select %and3A_61, %sub3A_54, %broadcast_in_dim3A_63 : vector<16x158x128xi1>, vector<16x158x128xi32>
    %swap3A_65 = arith.constant 1 : index
    %swap3A_66 = arith.constant 0 : index
    %swap3A_67 = arith.constant 0 : index
    %swap3A_68 = arith.constant 0 : index
    %swap3A_69 = vector.load %arg7[%swap3A_65, %swap3A_66, %swap3A_67, %swap3A_68] : memref<2x16x158x128xi32, #tpu.memory_space<vmem>>, vector<1x16x158x128xi32>
    %swap3A_70 = vector.shape_cast %swap3A_69 : vector<1x16x158x128xi32> to vector<16x158x128xi32>
    %swap3A_71 = vector.shape_cast %select_n3A_64 : vector<16x158x128xi32> to vector<1x16x158x128xi32>
    tpu.vector_store %arg7[%swap3A_65, %swap3A_66, %swap3A_67, %swap3A_68], %swap3A_71 {strides = array<i32>} : memref<2x16x158x128xi32, #tpu.memory_space<vmem>>, vector<1x16x158x128xi32>,
    %get3A_72 = arith.constant 0 : index
    %get3A_73 = arith.constant 0 : index
    %get3A_74 = vector.load %arg0[%get3A_72, %get3A_73] : memref<10000x128xf32, #tpu.memory_space<vmem>>, vector<10000x128xf32>
    %get3A_75 = arith.constant 0 : index
    %get3A_76 = arith.constant 0 : index
    %get3A_77 = vector.load %arg1[%get3A_75, %get3A_76] : memref<128x128xf32, #tpu.memory_space<vmem>>, vector<128x128xf32>
    %dot_general3A = arith.constant dense<0.000000e+00> : vector<10000x128xf32>
    %dot_general3A_78 = tpu.matmul %get3A_74, %get3A_77, %dot_general3A {dimension_numbers = #tpu.dot_dimension_numbers<[1], [0], [0], [1], [0, 0, 1, 1], [], []>, transpose_lhs_hint = false} : vector<10000x128xf32>, vector<128x128xf32>, vector<10000x128xf32> -> vector<10000x128xf32>
    %slice3A = vector.extract_strided_slice %rsqrt3A {offsets = [0, 0], sizes = [10000, 1], strides = [1, 1]} : vector<10112x1xf32> to vector<10000x1xf32>
    %mul3A = vector.broadcast %slice3A : vector<10000x1xf32> to vector<10000x128xf32>
    %mul3A_79 = arith.mulf %dot_general3A_78, %mul3A : vector<10000x128xf32>
    %swap3A_80 = arith.constant 0 : index
    %swap3A_81 = arith.constant 0 : index
    %swap3A_82 = vector.load %arg4[%swap3A_80, %swap3A_81] : memref<10112x128xf32, #tpu.memory_space<vmem>>, vector<10000x128xf32>
    tpu.vector_store %arg4[%swap3A_80, %swap3A_81], %mul3A_79 {strides = array<i32>} : memref<10112x128xf32, #tpu.memory_space<vmem>>, vector<10000x128xf32>,
    %broadcast_in_dim3A_83 = arith.constant 0.000000e+00 : f32
    %broadcast_in_dim3A_84 = vector.broadcast %broadcast_in_dim3A_83 : f32 to vector<112x128xf32>
    %swap3A_85 = arith.constant 10000 : index
    %swap3A_86 = arith.constant 0 : index
    %swap3A_87 = vector.load %arg4[%swap3A_85, %swap3A_86] : memref<10112x128xf32, #tpu.memory_space<vmem>>, vector<112x128xf32>
    tpu.vector_store %arg4[%swap3A_85, %swap3A_86], %broadcast_in_dim3A_84 {strides = array<i32>} : memref<10112x128xf32, #tpu.memory_space<vmem>>, vector<112x128xf32>,
    return
  }
}

module attributes {stable_mosaic.version = 14 : i64} {
  func.func @_mid_body(%arg0: memref<2x5120x128xf32, #tpu.memory_space<vmem>>, %arg1: memref<10112x1xf32, #tpu.memory_space<vmem>>, %arg2: memref<1x128xf32, #tpu.memory_space<vmem>>, %arg3: memref<1x128xf32, #tpu.memory_space<vmem>>, %arg4: memref<1x128xf32, #tpu.memory_space<vmem>>, %arg5: memref<1x1xf32, #tpu.memory_space<vmem>>, %arg6: memref<128x128xf32, #tpu.memory_space<vmem>>, %arg7: memref<10112x1xf32, #tpu.memory_space<vmem>>, %arg8: memref<10112x128xf32, #tpu.memory_space<vmem>>) attributes {dimension_semantics = [], scalar_prefetch = 0 : i64, scratch_operands = 0 : i64, tpu.core_type = #tpu.core_type<tc>} {
    %get3A = arith.constant 0 : index
    %get3A_0 = arith.constant 0 : index
    %get3A_1 = arith.constant 0 : index
    %get3A_2 = vector.load %arg0[%get3A, %get3A_0, %get3A_1] : memref<2x5120x128xf32, #tpu.memory_space<vmem>>, vector<1x5056x128xf32>
    %get3A_3 = vector.shape_cast %get3A_2 : vector<1x5056x128xf32> to vector<5056x128xf32>
    %get3A_4 = arith.constant 1 : index
    %get3A_5 = arith.constant 0 : index
    %get3A_6 = arith.constant 0 : index
    %get3A_7 = vector.load %arg0[%get3A_4, %get3A_5, %get3A_6] : memref<2x5120x128xf32, #tpu.memory_space<vmem>>, vector<1x4944x128xf32>
    %get3A_8 = vector.shape_cast %get3A_7 : vector<1x4944x128xf32> to vector<4944x128xf32>
    %concatenate3A = tpu.concatenate %get3A_3, %get3A_8 in 0 : vector<5056x128xf32>, vector<4944x128xf32> -> vector<10000x128xf32>
    %get3A_9 = arith.constant 0 : index
    %get3A_10 = arith.constant 0 : index
    %get3A_11 = vector.load %arg1[%get3A_9, %get3A_10] : memref<10112x1xf32, #tpu.memory_space<vmem>>, vector<10000x1xf32>
    %mul3A = vector.broadcast %get3A_11 : vector<10000x1xf32> to vector<10000x128xf32>
    %mul3A_12 = arith.mulf %concatenate3A, %mul3A : vector<10000x128xf32>
    %get3A_13 = arith.constant 0 : index
    %get3A_14 = arith.constant 0 : index
    %get3A_15 = vector.load %arg2[%get3A_13, %get3A_14] : memref<1x128xf32, #tpu.memory_space<vmem>>, vector<1x128xf32>
    %add3A = vector.broadcast %get3A_15 : vector<1x128xf32> to vector<10000x128xf32>
    %add3A_16 = arith.addf %mul3A_12, %add3A : vector<10000x128xf32>
    %reduce_sum3A = arith.constant dense<0.000000e+00> : vector<128xf32>
    %reduce_sum3A_17 = vector.multi_reduction <add>, %add3A_16, %reduce_sum3A [0] : vector<10000x128xf32> to vector<128xf32>
    %broadcast_in_dim3A = vector.shape_cast %reduce_sum3A_17 : vector<128xf32> to vector<1x128xf32>
    %div3A = arith.constant 1.000000e+04 : f32
    %div3A_18 = vector.broadcast %div3A : f32 to vector<1x128xf32>
    %div3A_19 = arith.divf %broadcast_in_dim3A, %div3A_18 : vector<1x128xf32>
    %sub3A = vector.broadcast %div3A_19 : vector<1x128xf32> to vector<10000x128xf32>
    %sub3A_20 = arith.subf %add3A_16, %sub3A : vector<10000x128xf32>
    %sub3A_21 = vector.broadcast %div3A_19 : vector<1x128xf32> to vector<10000x128xf32>
    %sub3A_22 = arith.subf %add3A_16, %sub3A_21 : vector<10000x128xf32>
    %mul3A_23 = arith.mulf %sub3A_20, %sub3A_22 : vector<10000x128xf32>
    %reduce_sum3A_24 = arith.constant dense<0.000000e+00> : vector<128xf32>
    %reduce_sum3A_25 = vector.multi_reduction <add>, %mul3A_23, %reduce_sum3A_24 [0] : vector<10000x128xf32> to vector<128xf32>
    %broadcast_in_dim3A_26 = vector.shape_cast %reduce_sum3A_25 : vector<128xf32> to vector<1x128xf32>
    %div3A_27 = arith.constant 1.000000e+04 : f32
    %div3A_28 = vector.broadcast %div3A_27 : f32 to vector<1x128xf32>
    %div3A_29 = arith.divf %broadcast_in_dim3A_26, %div3A_28 : vector<1x128xf32>
    %get3A_30 = arith.constant 0 : index
    %get3A_31 = arith.constant 0 : index
    %get3A_32 = vector.load %arg3[%get3A_30, %get3A_31] : memref<1x128xf32, #tpu.memory_space<vmem>>, vector<1x128xf32>
    %sub3A_33 = vector.broadcast %div3A_19 : vector<1x128xf32> to vector<10000x128xf32>
    %sub3A_34 = arith.subf %add3A_16, %sub3A_33 : vector<10000x128xf32>
    %mul3A_35 = vector.broadcast %get3A_32 : vector<1x128xf32> to vector<10000x128xf32>
    %mul3A_36 = arith.mulf %mul3A_35, %sub3A_34 : vector<10000x128xf32>
    %add3A_37 = arith.constant 9.99999974E-6 : f32
    %add3A_38 = vector.broadcast %add3A_37 : f32 to vector<1x128xf32>
    %add3A_39 = arith.addf %div3A_29, %add3A_38 : vector<1x128xf32>
    %rsqrt3A = math.rsqrt %add3A_39 : vector<1x128xf32>
    %mul3A_40 = vector.broadcast %rsqrt3A : vector<1x128xf32> to vector<10000x128xf32>
    %mul3A_41 = arith.mulf %mul3A_36, %mul3A_40 : vector<10000x128xf32>
    %get3A_42 = arith.constant 0 : index
    %get3A_43 = arith.constant 0 : index
    %get3A_44 = vector.load %arg4[%get3A_42, %get3A_43] : memref<1x128xf32, #tpu.memory_space<vmem>>, vector<1x128xf32>
    %add3A_45 = vector.broadcast %get3A_44 : vector<1x128xf32> to vector<10000x128xf32>
    %add3A_46 = arith.addf %mul3A_41, %add3A_45 : vector<10000x128xf32>
    %ge3A = arith.constant 0.000000e+00 : f32
    %ge3A_47 = vector.broadcast %ge3A : f32 to vector<10000x128xf32>
    %ge3A_48 = arith.cmpf oge, %add3A_46, %ge3A_47 : vector<10000x128xf32>
    %get3A_49 = arith.constant 0 : index
    %get3A_50 = arith.constant 0 : index
    %get3A_51 = vector.load %arg5[%get3A_49, %get3A_50] : memref<1x1xf32, #tpu.memory_space<vmem>>, vector<1x1xf32>
    %get3A_52 = vector.extract %get3A_51[0, 0] : f32 from vector<1x1xf32>
    %mul3A_53 = vector.broadcast %get3A_52 : f32 to vector<10000x128xf32>
    %mul3A_54 = arith.mulf %mul3A_53, %add3A_46 : vector<10000x128xf32>
    %select_n3A = arith.select %ge3A_48, %add3A_46, %mul3A_54 : vector<10000x128xi1>, vector<10000x128xf32>
    %get3A_55 = arith.constant 0 : index
    %get3A_56 = arith.constant 0 : index
    %get3A_57 = vector.load %arg6[%get3A_55, %get3A_56] : memref<128x128xf32, #tpu.memory_space<vmem>>, vector<128x128xf32>
    %dot_general3A = arith.constant dense<0.000000e+00> : vector<10000x128xf32>
    %dot_general3A_58 = tpu.matmul %select_n3A, %get3A_57, %dot_general3A {dimension_numbers = #tpu.dot_dimension_numbers<[1], [0], [0], [1], [0, 0, 1, 1], [], []>, transpose_lhs_hint = false} : vector<10000x128xf32>, vector<128x128xf32>, vector<10000x128xf32> -> vector<10000x128xf32>
    %get3A_59 = arith.constant 0 : index
    %get3A_60 = arith.constant 0 : index
    %get3A_61 = vector.load %arg7[%get3A_59, %get3A_60] : memref<10112x1xf32, #tpu.memory_space<vmem>>, vector<10000x1xf32>
    %mul3A_62 = vector.broadcast %get3A_61 : vector<10000x1xf32> to vector<10000x128xf32>
    %mul3A_63 = arith.mulf %dot_general3A_58, %mul3A_62 : vector<10000x128xf32>
    %swap3A = arith.constant 0 : index
    %swap3A_64 = arith.constant 0 : index
    %swap3A_65 = vector.load %arg8[%swap3A, %swap3A_64] : memref<10112x128xf32, #tpu.memory_space<vmem>>, vector<10000x128xf32>
    tpu.vector_store %arg8[%swap3A, %swap3A_64], %mul3A_63 {strides = array<i32>} : memref<10112x128xf32, #tpu.memory_space<vmem>>, vector<10000x128xf32>,
    %broadcast_in_dim3A_66 = arith.constant 0.000000e+00 : f32
    %broadcast_in_dim3A_67 = vector.broadcast %broadcast_in_dim3A_66 : f32 to vector<112x128xf32>
    %swap3A_68 = arith.constant 10000 : index
    %swap3A_69 = arith.constant 0 : index
    %swap3A_70 = vector.load %arg8[%swap3A_68, %swap3A_69] : memref<10112x128xf32, #tpu.memory_space<vmem>>, vector<112x128xf32>
    tpu.vector_store %arg8[%swap3A_68, %swap3A_69], %broadcast_in_dim3A_67 {strides = array<i32>} : memref<10112x128xf32, #tpu.memory_space<vmem>>, vector<112x128xf32>,
    return
  }
}

module attributes {stable_mosaic.version = 14 : i64} {
  func.func @_final_body(%arg0: memref<2x5120x128xf32, #tpu.memory_space<vmem>>, %arg1: memref<10112x1xf32, #tpu.memory_space<vmem>>, %arg2: memref<1x128xf32, #tpu.memory_space<vmem>>, %arg3: memref<1x128xf32, #tpu.memory_space<vmem>>, %arg4: memref<1x128xf32, #tpu.memory_space<vmem>>, %arg5: memref<1x1xf32, #tpu.memory_space<vmem>>, %arg6: memref<10000x128xf32, #tpu.memory_space<vmem>>) attributes {dimension_semantics = [], scalar_prefetch = 0 : i64, scratch_operands = 0 : i64, tpu.core_type = #tpu.core_type<tc>} {
    %get3A = arith.constant 0 : index
    %get3A_0 = arith.constant 0 : index
    %get3A_1 = arith.constant 0 : index
    %get3A_2 = vector.load %arg0[%get3A, %get3A_0, %get3A_1] : memref<2x5120x128xf32, #tpu.memory_space<vmem>>, vector<1x5056x128xf32>
    %get3A_3 = vector.shape_cast %get3A_2 : vector<1x5056x128xf32> to vector<5056x128xf32>
    %get3A_4 = arith.constant 1 : index
    %get3A_5 = arith.constant 0 : index
    %get3A_6 = arith.constant 0 : index
    %get3A_7 = vector.load %arg0[%get3A_4, %get3A_5, %get3A_6] : memref<2x5120x128xf32, #tpu.memory_space<vmem>>, vector<1x4944x128xf32>
    %get3A_8 = vector.shape_cast %get3A_7 : vector<1x4944x128xf32> to vector<4944x128xf32>
    %concatenate3A = tpu.concatenate %get3A_3, %get3A_8 in 0 : vector<5056x128xf32>, vector<4944x128xf32> -> vector<10000x128xf32>
    %get3A_9 = arith.constant 0 : index
    %get3A_10 = arith.constant 0 : index
    %get3A_11 = vector.load %arg1[%get3A_9, %get3A_10] : memref<10112x1xf32, #tpu.memory_space<vmem>>, vector<10000x1xf32>
    %mul3A = vector.broadcast %get3A_11 : vector<10000x1xf32> to vector<10000x128xf32>
    %mul3A_12 = arith.mulf %concatenate3A, %mul3A : vector<10000x128xf32>
    %get3A_13 = arith.constant 0 : index
    %get3A_14 = arith.constant 0 : index
    %get3A_15 = vector.load %arg2[%get3A_13, %get3A_14] : memref<1x128xf32, #tpu.memory_space<vmem>>, vector<1x128xf32>
    %add3A = vector.broadcast %get3A_15 : vector<1x128xf32> to vector<10000x128xf32>
    %add3A_16 = arith.addf %mul3A_12, %add3A : vector<10000x128xf32>
    %reduce_sum3A = arith.constant dense<0.000000e+00> : vector<128xf32>
    %reduce_sum3A_17 = vector.multi_reduction <add>, %add3A_16, %reduce_sum3A [0] : vector<10000x128xf32> to vector<128xf32>
    %broadcast_in_dim3A = vector.shape_cast %reduce_sum3A_17 : vector<128xf32> to vector<1x128xf32>
    %div3A = arith.constant 1.000000e+04 : f32
    %div3A_18 = vector.broadcast %div3A : f32 to vector<1x128xf32>
    %div3A_19 = arith.divf %broadcast_in_dim3A, %div3A_18 : vector<1x128xf32>
    %sub3A = vector.broadcast %div3A_19 : vector<1x128xf32> to vector<10000x128xf32>
    %sub3A_20 = arith.subf %add3A_16, %sub3A : vector<10000x128xf32>
    %sub3A_21 = vector.broadcast %div3A_19 : vector<1x128xf32> to vector<10000x128xf32>
    %sub3A_22 = arith.subf %add3A_16, %sub3A_21 : vector<10000x128xf32>
    %mul3A_23 = arith.mulf %sub3A_20, %sub3A_22 : vector<10000x128xf32>
    %reduce_sum3A_24 = arith.constant dense<0.000000e+00> : vector<128xf32>
    %reduce_sum3A_25 = vector.multi_reduction <add>, %mul3A_23, %reduce_sum3A_24 [0] : vector<10000x128xf32> to vector<128xf32>
    %broadcast_in_dim3A_26 = vector.shape_cast %reduce_sum3A_25 : vector<128xf32> to vector<1x128xf32>
    %div3A_27 = arith.constant 1.000000e+04 : f32
    %div3A_28 = vector.broadcast %div3A_27 : f32 to vector<1x128xf32>
    %div3A_29 = arith.divf %broadcast_in_dim3A_26, %div3A_28 : vector<1x128xf32>
    %get3A_30 = arith.constant 0 : index
    %get3A_31 = arith.constant 0 : index
    %get3A_32 = vector.load %arg3[%get3A_30, %get3A_31] : memref<1x128xf32, #tpu.memory_space<vmem>>, vector<1x128xf32>
    %sub3A_33 = vector.broadcast %div3A_19 : vector<1x128xf32> to vector<10000x128xf32>
    %sub3A_34 = arith.subf %add3A_16, %sub3A_33 : vector<10000x128xf32>
    %mul3A_35 = vector.broadcast %get3A_32 : vector<1x128xf32> to vector<10000x128xf32>
    %mul3A_36 = arith.mulf %mul3A_35, %sub3A_34 : vector<10000x128xf32>
    %add3A_37 = arith.constant 9.99999974E-6 : f32
    %add3A_38 = vector.broadcast %add3A_37 : f32 to vector<1x128xf32>
    %add3A_39 = arith.addf %div3A_29, %add3A_38 : vector<1x128xf32>
    %rsqrt3A = math.rsqrt %add3A_39 : vector<1x128xf32>
    %mul3A_40 = vector.broadcast %rsqrt3A : vector<1x128xf32> to vector<10000x128xf32>
    %mul3A_41 = arith.mulf %mul3A_36, %mul3A_40 : vector<10000x128xf32>
    %get3A_42 = arith.constant 0 : index
    %get3A_43 = arith.constant 0 : index
    %get3A_44 = vector.load %arg4[%get3A_42, %get3A_43] : memref<1x128xf32, #tpu.memory_space<vmem>>, vector<1x128xf32>
    %add3A_45 = vector.broadcast %get3A_44 : vector<1x128xf32> to vector<10000x128xf32>
    %add3A_46 = arith.addf %mul3A_41, %add3A_45 : vector<10000x128xf32>
    %ge3A = arith.constant 0.000000e+00 : f32
    %ge3A_47 = vector.broadcast %ge3A : f32 to vector<10000x128xf32>
    %ge3A_48 = arith.cmpf oge, %add3A_46, %ge3A_47 : vector<10000x128xf32>
    %get3A_49 = arith.constant 0 : index
    %get3A_50 = arith.constant 0 : index
    %get3A_51 = vector.load %arg5[%get3A_49, %get3A_50] : memref<1x1xf32, #tpu.memory_space<vmem>>, vector<1x1xf32>
    %get3A_52 = vector.extract %get3A_51[0, 0] : f32 from vector<1x1xf32>
    %mul3A_53 = vector.broadcast %get3A_52 : f32 to vector<10000x128xf32>
    %mul3A_54 = arith.mulf %mul3A_53, %add3A_46 : vector<10000x128xf32>
    %select_n3A = arith.select %ge3A_48, %add3A_46, %mul3A_54 : vector<10000x128xi1>, vector<10000x128xf32>
    %swap3A = arith.constant 0 : index
    %swap3A_55 = arith.constant 0 : index
    %swap3A_56 = vector.load %arg6[%swap3A, %swap3A_55] : memref<10000x128xf32, #tpu.memory_space<vmem>>, vector<10000x128xf32>
    tpu.vector_store %arg6[%swap3A, %swap3A_55], %select_n3A {strides = array<i32>} : memref<10000x128xf32, #tpu.memory_space<vmem>>, vector<10000x128xf32>,
    return
  }
}

</mosaic_0001>

<sc_bundles>
// kernel: kernel.11.cloned.1.call-start
scs
__scs_entry_jumppad:
0x0: {  	(pc) =	sbr.rel $0x88, $3  }
0x1: {  	(tag) =	ssettag $0x0;
	lr =	simm.s32 $0x1  }
0x2: {  	[smem:$0x3F95] =	sst lr;
	_ =	strace $0xD0000000  }
0x3: {  	_ = 	snop  }
0x4: {  	_ = 	snop  }
0x5: {  	_ = 	snop  }
0x6: {  	_ = 	snop  }
0x7: {  	_ = 	snop  }
__scs_overlays_trampoline_lowered:
0x8: {  	[smem:$0x3FA4] =	sst s0  }
0x9: {  	[smem:$0x3FA5] =	sst s1  }
0xa: {  	[smem:$0x3FA6] =	sst s2  }
0xb: {  	[smem:$0x3FA7] =	sst s3  }
0xc: {  	[smem:$0x3FA8] =	sst s4  }
0xd: {  	[smem:$0x3FA9] =	sst s5  }
0xe: {  	[smem:$0x3FAA] =	sst s6  }
0xf: {  	[smem:$0x3FAB] =	sst s7  }
0x10: {  	[smem:$0x3FAC] =	sst s8  }
0x11: {  	[smem:$0x3FAD] =	sst s9;
	s0 =	simm.s32 @!p0 $0x0  }
0x12: {  	s1 =	sld [smem:$0x3F93];
	s0 =	simm.s32 @p0 $0x1  }
0x13: {  	[smem:$0x3FAE] =	sst s0;
	s0 =	simm.s32 @!p1 $0x0  }
0x14: {  	s2 =	sld [smem:$0x3F92];
	s0 =	simm.s32 @p1 $0x1  }
0x15: {  	[smem:$0x3FAF] =	sst s0;
	s0 =	simm.s32 @!p2 $0x0  }
0x16: {  	s3 =	sld [smem:$0x3FDB];
	s0 =	simm.s32 @p2 $0x1  }
0x17: {  	s4 =	simm.s32 $0x1BF5;
	[smem:$0x3FB1] =	sst s0  }
0x18: {  	s0 =	sld [smem:$0x3F94];
	_ =	swait.ge [sflag:s4], $0x0  }
0x19: {  	s7 =	sld [smem:$0x3F95]  }
0x1a: {  	s8 =	sadd.s32 $0xFFFFE003, lr  }
0x1b: {  	s9 =	sadd.s32 $0xFFFFFEF7, lr;
	s5 =	simm.s32 $0xFFFFFFFF;
	p2 =	slt.u32 s8, $0xFFFFF086  }
0x1c: {  	p1 =	slt.u32 s9, $0xF7A;
	s5 =	simm.s32 @!p2 $0x0  }
0x1d: {  	s5 =	simm.s32 @p1 $0x1;
	p0 =	seq.s32 s7, s2  }
0x1e: {  	s7 =	smul.u32 @!p0 $0xF7A, s2;
	p2 =	seq.s32 @!p0 s5, $0x0  }
0x1f: {  	s9 =	smul.u32 $0xF7A, s1;
	s8 =	simm.s32 @!p0 $0x1BF5;
	p2 =	por !p2, p0  }
0x20: {  	[sflag:s8] =	ssyncset.s32 @!p0 $0xFFFFF086;
	s6 =	sadd.s32 @!p0 s3, s7;
	s7 =	simm.s32 @!p0 $0x108  }
0x21: {  	s3 =	sadd.s32 s3, s9;
	s6 =	sadd.s32 @!p0 $0x88, s6;
	s7 =	simm.s32 @p2 $0x1082  }
0x22: {  	[simem:s7], [sflag:s8] =	dma.local @!p0 [hbm:s6], $0xF7A  }
0x23: {  	s9 =	sor.u32 $0xD0000000, s2;
	s6 =	simm.s32 $0x108;
	_ =	swait.ge @!p0 [sflag:s8], $0x0  }
0x24: {  	s3 =	sadd.s32 $0x88, s3;
	s6 =	simm.s32 @!p1 $0x1082;
	[sflag:s4] =	ssyncset.s32 $0xFFFFF086  }
0x25: {  	[simem:s6], [sflag:s4] =	dma.local [hbm:s3], $0xF7A  }
0x26: {  	[smem:$0x3F95] =	sst s1;
	(tag) =	ssettag s2;
	_ =	strace s9  }
0x27: {  	s1 =	sld [smem:$0x3FA5]  }
0x28: {  	s2 =	sld [smem:$0x3FA6]  }
0x29: {  	s4 =	sld [smem:$0x3FA8]  }
0x2a: {  	p0 =	seq.s32 s5, $0x0;
	s5 =	sld [smem:$0x3FA9]  }
0x2b: {  	s6 =	sld [smem:$0x3FAA]  }
0x2c: {  	s7 =	sld [smem:$0x3FAB]  }
0x2d: {  	s3 =	simm.s32 $0x108;
	s8 =	sld [smem:$0x3FAC]  }
0x2e: {  	s3 =	simm.s32 @!p0 $0x1082;
	s9 =	sld [smem:$0x3FAD]  }
0x2f: {  	lr =	sadd.s32 s0, s3;
	s0 =	sld [smem:$0x3FA4]  }
0x30: {  	s3 =	sld [smem:$0x3FA7]  }
0x31: {  	[smem:$0x3FB0] =	sst s10  }
0x32: {  	s10 =	sld [smem:$0x3FAE];
	_ =	sdelay $0x3  }
0x33: {  	p0 =	seq.s32 s10, $0x1;
	s10 =	sld [smem:$0x3FB0];
	_ =	sdelay $0x3  }
0x34: {  	[smem:$0x3FB0] =	sst s10  }
0x35: {  	s10 =	sld [smem:$0x3FAF];
	_ =	sdelay $0x3  }
0x36: {  	p1 =	seq.s32 s10, $0x1;
	s10 =	sld [smem:$0x3FB0];
	_ =	sdelay $0x3  }
0x37: {  	[smem:$0x3FB0] =	sst s10  }
0x38: {  	s10 =	sld [smem:$0x3FB1]  }
0x39: {  	_ = 	snop;
	(pc) =	sbr.ind lr, $3  }
0x3a: {  	_ = 	snop  }
0x3b: {  	_ = 	snop  }
0x3c: {  	p2 =	seq.s32 s10, $0x1;
	s10 =	sld [smem:$0x3FB0]  }
0x3d: {  	_ =	shalt  }
0x3e: {  	_ =	shalt  }
0x3f: {  	_ =	shalt  }
0x40: {  	_ =	shalt  }
0x41: {  	_ =	shalt  }
0x42: {  	_ =	shalt  }
0x43: {  	_ =	shalt  }
0x44: {  	_ =	shalt  }
0x45: {  	_ =	shalt  }
0x46: {  	_ =	shalt  }
0x47: {  	_ =	shalt  }
0x48: {  	_ =	shalt  }
0x49: {  	_ =	shalt  }
0x4a: {  	_ =	shalt  }
0x4b: {  	_ =	shalt  }
0x4c: {  	_ =	shalt  }
0x4d: {  	_ =	shalt  }
0x4e: {  	_ =	shalt  }
0x4f: {  	_ =	shalt  }
0x50: {  	_ =	shalt  }
0x51: {  	_ =	shalt  }
0x52: {  	_ =	shalt  }
0x53: {  	_ =	shalt  }
0x54: {  	_ =	shalt  }
0x55: {  	_ =	shalt  }
0x56: {  	_ =	shalt  }
0x57: {  	_ =	shalt  }
0x58: {  	_ =	shalt  }
0x59: {  	_ =	shalt  }
0x5a: {  	_ =	shalt  }
0x5b: {  	_ =	shalt  }
0x5c: {  	_ =	shalt  }
0x5d: {  	_ =	shalt  }
0x5e: {  	_ =	shalt  }
0x5f: {  	_ =	shalt  }
0x60: {  	_ =	shalt  }
0x61: {  	_ =	shalt  }
0x62: {  	_ =	shalt  }
0x63: {  	_ =	shalt  }
0x64: {  	_ =	shalt  }
0x65: {  	_ =	shalt  }
0x66: {  	_ =	shalt  }
0x67: {  	_ =	shalt  }
0x68: {  	_ =	shalt  }
0x69: {  	_ =	shalt  }
0x6a: {  	_ =	shalt  }
0x6b: {  	_ =	shalt  }
0x6c: {  	_ =	shalt  }
0x6d: {  	_ =	shalt  }
0x6e: {  	_ =	shalt  }
0x6f: {  	_ =	shalt  }
0x70: {  	_ =	shalt  }
0x71: {  	_ =	shalt  }
0x72: {  	_ =	shalt  }
0x73: {  	_ =	shalt  }
0x74: {  	_ =	shalt  }
0x75: {  	_ =	shalt  }
0x76: {  	_ =	shalt  }
0x77: {  	_ =	shalt  }
0x78: {  	_ =	shalt  }
0x79: {  	_ =	shalt  }
0x7a: {  	_ =	shalt  }
0x7b: {  	_ =	shalt  }
0x7c: {  	_ =	shalt  }
0x7d: {  	_ =	shalt  }
0x7e: {  	_ =	shalt  }
0x7f: {  	_ =	shalt  }
0x80: {  	_ =	shalt  }
0x81: {  	_ =	shalt  }
0x82: {  	_ =	shalt  }
0x83: {  	_ =	shalt  }
0x84: {  	_ =	shalt  }
0x85: {  	_ =	shalt  }
0x86: {  	_ =	shalt  }
0x87: {  	_ =	shalt  }
.Lfunc_end0:
.L_simem_size_0:
called_computation.1_lowered:
.L_overlay_start_0:
0x88: {  	s2 =	sld [smem:$0x3FD9]  }
0x89: {  	s3 =	sld [smem:$0x3FFE];
	_ =	sdelay $0x1  }
0x8a: {  	s1 =	srdreg.scid  }
0x8b: {  	s0 =	sand.u32 $0x1, s1  }
0x8c: {  	s17 =	sshll.u32 s0, $0xA;
	s2 =	sadd.s32 s3, s2  }
0x8d: {  	s2 =	sadd.s32 s2, s17  }
0x8e: {  	[smem:$0x3FBC] =	sst s2  }
0x8f: {  	_ = 	snop  }
0x90: {  	s2 =	sld [smem:$0x3FD0];
	(tm) =	ssettm $0x1  }
0x91: {  	s18 =	sld [smem:$0x3FFB];
	_ =	sdelay $0x3  }
0x92: {  	_ =	strace s18  }
0x93: {  	s3 =	sld [smem:$0x3FFC];
	_ =	sdelay $0x3  }
0x94: {  	_ =	strace s3  }
0x95: {  	s3 =	sld [smem:$0x3FFD];
	_ =	sdelay $0x3  }
0x96: {  	_ =	strace s3  }
0x97: {  	_ =	strace $0x8FFFFFFF  }
0x98: {  	s19 =	sld [smem:$0x3FDB];
	_ =	sdelay $0x1  }
0x99: {  	s4 =	simm.s32 $_scs_section_size  }
0x9a: {  	s5 =	simm.s32 $_size__tile_overlayer_lowered;
	s6 =	simm.s32 $_tile_overlayer_lowered  }
0x9b: {  	s22 =	simm.s32 $0x1BFF;
	s21 =	sshll.u32 s6, $0x1;
	s3 =	sadd.s32 s4, s19  }
0x9c: {  	s7 =	simm.s32 $0x0;
	s20 =	sshll.u32 s5, $0x1;
	s5 =	sadd.s32 s21, s3  }
0x9d: {  	[timem:s7], [sflag:s22] =	dma.local [hbm:s5], s20  }
0x9e: {  	_ =	swait.ge [sflag:s22], s20  }
0x9f: {  	s4 =	ssub.s32 $0x0, s20;
	[sflag:s22] =	ssyncset.done $0x0  }
0xa0: {  	[sflag:s22] =	ssyncadd.s32 s4;
	_ =	sdelay $0x1  }
0xa1: {  	s23 =	simm.s32 $0x1B8B  }
0xa2: {  	_ =	swait.ge [sflag:s23], $0x1  }
0xa3: {  	[sflag:s23] =	ssyncset.done $0x0  }
0xa4: {  	s25 =	simm.s32 $0x1B8E;
	s24 =	sld [smem:$0x3FFE];
	[sflag:s23] =	ssyncadd.s32 $0xFFFFFFFF  }
0xa5: {  	s26 =	simm.s32 $execute0_lowered;
	[smem:$0x3FD2] =	sst s25  }
0xa6: {  	s5 =	sshll.u32 s26, $0x1;
	_ =	strace $0x80000049;
	[dreg:$0x1] =	wrdreg $0xFFFFFFFF  }
0xa7: {  	s28 =	simm.s32 $_size_execute0_lowered;
	s3 =	sadd.s32 s3, s5;
	[dreg:$0x0] =	wrdreg $0x0  }
0xa8: {  	s5 =	sshll.u32 s28, $0x1;
	[dreg:$0x2] =	wrdreg s3  }
0xa9: {  	[dreg:$0x3] =	wrdreg s5  }
0xaa: {  	[dreg:$0x4] =	wrdreg $0xC0  }
0xab: {  	_ =	task [dreg:s7], $0x5FFFF  }
0xac: {  	[dreg:$0x1] =	wrdreg $0xFFFFFFFF  }
0xad: {  	[dreg:$0x0] =	wrdreg $0x60  }
0xae: {  	[dreg:$0x2] =	wrdreg s24  }
0xaf: {  	[dreg:$0x3] =	wrdreg s2  }
0xb0: {  	[dreg:$0x4] =	wrdreg $0x120000  }
0xb1: {  	[dreg:$0x5] =	wrdreg $0x9  }
0xb2: {  	_ =	task.clear_ibuf [dreg:s7], $0x6FFFF;
	_ =	strace $0x90000049  }
0xb3: {  	s29 =	simm.s32 $0x9;
	_ =	strace $0x8000004B  }
0xb4: {  	_ =	swait.ge [sflag:s29], $0x1  }
0xb5: {  	[sflag:s29] =	ssyncadd.s32 $0xFFFFFFFF  }
0xb6: {  	_ =	strace $0x9000004B  }
0xb7: {  	_ =	sfence  }
0xb8: {  	s30 =	sld [smem:$0x0];
	_ =	sdelay $0x2  }
0xb9: {  	s31 =	sshll.u32 s1, $0xD;
	s1 =	sshrl.u32 s1, $0x2  }
0xba: {  	s3 =	sand.u32 $0x4000, s31;
	s1 =	sadd.s32 s1, s30  }
0xbb: {  	s0 =	sor.u32 s3, s0;
	s1 =	sshll.u32 s1, $0x11  }
0xbc: {  	s0 =	sor.u32 s1, s0  }
0xbd: {  	s0 =	sadd.s32 $0x8F2B, s0  }
0xbe: {  	[sflag:s0] =	ssyncadd.remote.s32 $0x1  }
0xbf: {  	_ =	sfence.sel $0xFFFF  }
0xc0: {  	[dreg:$0x0] =	wrdreg $0xFFFFFFFF;
	(pc) =	sbr.abs _section_cstart, $3  }
0xc1: {  	[dreg:$0x1] =	wrdreg $0xFFFFFFFF  }
0xc2: {  	_ =	task.clear_ibuf [dreg:s7], $0x2FFFF;
	_ =	strace $0x9FFFFFFF  }
0xc3: {  	(tm) =	ssettm $0x7FFFFFFF  }
tec
execute0_lowered:
.L_overlay_start_1:
0x0: {  	(tag) =	ssettag $0x1  }
0x1: {  	s6 =	rddreg [dreg:$0x0]  }
0x2: {  	s8 =	rddreg [dreg:$0x1]  }
0x3: {  	s0 =	stileid.u32;
	s1 =	srdreg.scid  }
0x4: {  	s2 =	rddreg [dreg:$0x2];
	s3 =	simm.s32 $0x0;
	s15 =	simm.s32 $0xA000  }
0x5: {  	s16 =	simm.s32 $0xE000;
	s17 =	simm.s32 $0x1;
	s18 =	simm.s32 $0x2  }
0x6: {  	s19 =	simm.s32 $0x9E00;
	s20 =	simm.s32 $0x9E80;
	s7 =	smul.u32 $0x5000, s0  }
0x7: {  	s5 =	sand.u32 $0x1, s1;
	s1 =	rddreg [dreg:$0x3];
	s11 =	smul.u32 $0xA000, s0  }
0x8: {  	s21 =	simm.s32 $0x0;
	[smem:$0x7FF] =	sst s3;
	s12 =	smul.u32 $0x28000, s0  }
0x9: {  	s4 =	sadd.s32 $0x3000, s6;
	s29 =	sshll.u32 s0, $0x6;
	s9 =	smul.u32 $0xA0000, s5  }
0xa: {  	_ =	strace $0x8000004A;
	s26 =	ssub.s32 $0x2, s5;
	s14 =	smul.u32 $0x50000, s5  }
0xb: {  	s5 =	sadd.s32 $0x2A800, s6;
	s10 =	sshrl.u32 s7, $0x3;
	s13 =	sshrl.u32 s26, $0x1  }
0xc: {  	s28 =	sshrl.u32 s12, $0x2;
	s12 =	simm.s32 $0x3;
	s10 =	sadd.s32 s10, s6  }
0xd: {  	s9 =	sadd.s32 s11, s9;
	s11 =	ssub.s32 s26, s13;
	s7 =	sadd.s32 s7, s14  }
0xe: {  	s30 =	sadd.s32 s28, s2;
	s13 =	simm.s32 $0x5000;
	s14 =	simm.s32 $0x80  }
0xf: {  	s9 =	sshrl.u32 s9, $0x3;
	s31 =	sshrl.u32 s7, $0x3;
	s7 =	sadd.s32 $0xAD800, s10  }
0x10: {  	s10 =	smax.u32 s11, $0x1;
	s11 =	sshrl.u32 s30, $0x3;
	s9 =	sadd.s32 s9, s6  }
0x11: {  	s6 =	sor.u32 $0x1C03, s29;
	s8 =	sadd.s32 s8, s31;
	s9 =	sadd.s32 $0x2BC00, s9  }
.LBB2_1:
0x12: {  	[spmem:s11], [sflag:s6] =	dma.local [hbm:s5], $0x1400  }
0x13: {  	_ =	swait.ge [sflag:s12], $0x1400  }
0x14: {  	[sflag:s12] =	ssyncset.done $0x0  }
0x15: {  	[sflag:s12] =	ssyncadd.s32 $0xFFFFEC00  }
0x16: {  	[bflag:$0x0] =	sbarrier.arrive $0xFFFF  }
0x17: {  	[tilespmem:s3], [sflag:$0x3] =	stream.linear.gather [hbm4b:s7+s3], $0x4F00, $0x38;
	[tilespmem:$0x1C000] =	vst v63  }
0x18: {  	_ =	swait.ge [sflag:s12], $0x4F00  }
0x19: {  	[sflag:s12] =	ssyncset.done $0x0  }
0x1a: {  	[sflag:s12] =	ssyncadd.s32 $0xFFFFB100  }
0x1b: {  	[tilespmem:s13], [sflag:$0x3] =	stream.linear.gather [hbm4b:s8+s3], $0x4F00, $0x38;
	[tilespmem:$0x1C000] =	vst v63  }
0x1c: {  	_ =	swait.ge [sflag:s12], $0x4F00  }
0x1d: {  	[sflag:s12] =	ssyncset.done $0x0  }
0x1e: {  	[sflag:s12] =	ssyncadd.s32 $0xFFFFB100  }
0x1f: {  	[tilespmem:s15], [sflag:$0x1] =	stream.indirect.gather [hbm4b:s4+s14], $0x80, s3, s14, $0xb8;
	[tilespmem:$0x1C000] =	vst v63  }
0x20: {  	_ = 	snop  }
0x21: {  	[tilespmem:s16], [sflag:$0x2] =	stream.indirect.gather [hbm4b:s4+s14], $0x80, s14, s14, $0xb8;
	[tilespmem:$0x1C000] =	vst v63  }
0x22: {  	_ =	swait.ge [sflag:s17], $0x4000  }
0x23: {  	[sflag:s17] =	ssyncset.done $0x0  }
0x24: {  	s22 =	simm.s32 $0x5000;
	[sflag:s17] =	ssyncadd.s32 $0xFFFFC000  }
0x25: {  	[spmem:s2] =	stream.indirect.scatter.add.f32 [tilespmem:s15], [sflag:$0x3], $0x80, s22, s14, $0xb8;
	[tilespmem:$0x1C000] =	vst v63  }
0x26: {  	_ =	swait.ge [sflag:s12], $0x4000  }
0x27: {  	[sflag:s12] =	ssyncset.done $0x0  }
0x28: {  	s30 =	simm.s32 $0x100;
	[sflag:s12] =	ssyncadd.s32 $0xFFFFC000  }
0x29: {  	[tilespmem:s15], [sflag:$0x1] =	stream.indirect.gather [hbm4b:s4+s14], $0x80, s30, s14, $0xb8;
	[tilespmem:$0x1C000] =	vst v63  }
0x2a: {  	_ =	swait.ge [sflag:s18], $0x4000  }
0x2b: {  	[sflag:s18] =	ssyncset.done $0x0  }
0x2c: {  	s31 =	simm.s32 $0x5080;
	[sflag:s18] =	ssyncadd.s32 $0xFFFFC000  }
0x2d: {  	[spmem:s2] =	stream.indirect.scatter.add.f32 [tilespmem:s16], [sflag:$0x3], $0x80, s31, s14, $0xb8;
	[tilespmem:$0x1C000] =	vst v63  }
0x2e: {  	_ =	swait.ge [sflag:s12], $0x4000  }
0x2f: {  	[sflag:s12] =	ssyncset.done $0x0  }
0x30: {  	s23 =	simm.s32 $0x180;
	s22 =	simm.s32 $0x400;
	[sflag:s12] =	ssyncadd.s32 $0xFFFFC000  }
.LBB2_2:
0x31: {  	[tilespmem:s16], [sflag:$0x2] =	stream.indirect.gather [hbm4b:s4+s14], $0x80, s23, s14, $0xb8;
	[tilespmem:$0x1C000] =	vst v63  }
0x32: {  	s23 =	smov.u32 s22  }
0x33: {  	p0 =	sne.s32 s22, $0x13400;
	s22 =	sadd.s32 $0x400, s22;
	_ =	swait.ge [sflag:s17], $0x4000  }
0x34: {  	s23 =	sshra.s32 s23, $0x2;
	[sflag:s17] =	ssyncset.done $0x0  }
0x35: {  	s24 =	sadd.s32 $0x5000, s23;
	[sflag:s17] =	ssyncadd.s32 $0xFFFFC000  }
0x36: {  	[spmem:s2] =	stream.indirect.scatter.add.f32 [tilespmem:s15], [sflag:$0x3], $0x80, s24, s14, $0xb8;
	[tilespmem:$0x1C000] =	vst v63  }
0x37: {  	_ =	swait.ge [sflag:s12], $0x4000  }
0x38: {  	[sflag:s12] =	ssyncset.done $0x0  }
0x39: {  	s24 =	sadd.s32 $0x100, s23;
	[sflag:s12] =	ssyncadd.s32 $0xFFFFC000  }
0x3a: {  	[tilespmem:s15], [sflag:$0x1] =	stream.indirect.gather [hbm4b:s4+s14], $0x80, s24, s14, $0xb8;
	[tilespmem:$0x1C000] =	vst v63  }
0x3b: {  	_ =	swait.ge [sflag:s18], $0x4000  }
0x3c: {  	[sflag:s18] =	ssyncset.done $0x0  }
.Ltmp0:
0x3d: {  	s24 =	sadd.s32 $0x5080, s23;
	[sflag:s18] =	ssyncadd.s32 $0xFFFFC000;
	(pc) =	sbr.rel @p0 .LBB2_2-.Ltmp0, $4  }
0x3e: {  	[spmem:s2] =	stream.indirect.scatter.add.f32 [tilespmem:s16], [sflag:$0x3], $0x80, s24, s14, $0xb8;
	[tilespmem:$0x1C000] =	vst v63  }
0x3f: {  	_ =	swait.ge [sflag:s12], $0x4000  }
0x40: {  	[sflag:s12] =	ssyncset.done $0x0  }
0x41: {  	s23 =	sadd.s32 $0x180, s23;
	[sflag:s12] =	ssyncadd.s32 $0xFFFFC000  }
0x42: {  	[tilespmem:s16], [sflag:$0x2] =	stream.indirect.gather [hbm4b:s4+s14], $0x80, s23, s14, $0xb8;
	[tilespmem:$0x1C000] =	vst v63  }
0x43: {  	_ =	swait.ge [sflag:s17], $0x4000  }
0x44: {  	[sflag:s17] =	ssyncset.done $0x0  }
0x45: {  	[sflag:s17] =	ssyncadd.s32 $0xFFFFC000  }
0x46: {  	[spmem:s2] =	stream.indirect.scatter.add.f32 [tilespmem:s15], [sflag:$0x3], $0x80, s19, s14, $0xb8;
	[tilespmem:$0x1C000] =	vst v63  }
0x47: {  	_ =	swait.ge [sflag:s12], $0x4000  }
0x48: {  	[sflag:s12] =	ssyncset.done $0x0  }
0x49: {  	[sflag:s12] =	ssyncadd.s32 $0xFFFFC000  }
0x4a: {  	_ =	swait.ge [sflag:s18], $0x4000  }
0x4b: {  	[sflag:s18] =	ssyncset.done $0x0  }
0x4c: {  	[sflag:s18] =	ssyncadd.s32 $0xFFFFC000  }
0x4d: {  	[spmem:s2] =	stream.indirect.scatter.add.f32 [tilespmem:s16], [sflag:$0x3], $0x80, s20, s14, $0xb8;
	[tilespmem:$0x1C000] =	vst v63  }
0x4e: {  	_ =	swait.ge [sflag:s12], $0x4000  }
0x4f: {  	s21 =	sadd.s32 $0x1, s21;
	[sflag:s12] =	ssyncset.done $0x0  }
0x50: {  	p0 =	sne.s32 s21, s10;
	[sflag:s12] =	ssyncadd.s32 $0xFFFFC000  }
.Ltmp1:
0x51: {  	[bflag:$0x0] =	sbarrier.arrive $0xFFFF;
	(pc) =	sbr.rel @p0 .LBB2_1-.Ltmp1, $4  }
0x52: {  	[hbm:s9], [sflag:s6] =	dma.local [spmem:s11], $0x1400  }
0x53: {  	_ =	swait.ge [sflag:s12], $0x1400  }
0x54: {  	[sflag:s12] =	ssyncset.done $0x0  }
0x55: {  	[sflag:s12] =	ssyncadd.s32 $0xFFFFEC00  }
0x56: {  	_ =	sfence.sel $0x180000  }
0x57: {  	[bflag:$0x0] =	sbarrier.arrive $0xFFFF  }
0x58: {  	p0 =	sne.s32 s0, $0x0;
	_ =	strace $0x9000004A  }
0x59: {  	s0 =	sadd.s32 @!p0 $0x100000, s1;
	[bflag:$0x2] =	sbarrier.arrive $0xFFFF  }
0x5a: {  	[sflag:s0] =	ssyncadd.tile.s32 @!p0 $0x1;
	_ =	shalt  }
.Lfunc_end2:
_tile_overlayer_lowered:
.L_overlay_start_2:
0x5b: {  	(tag) =	ssettag $0x2  }
0x5c: {  	s0 =	rddreg [dreg:$0x0];
	s2 =	stileid.u32  }
0x5d: {  	s1 =	rddreg [dreg:$0x1];
	p0 =	sne.s32 s2, $0x0  }
0x5e: {  	s3 =	rddreg [dreg:$0x2];
	[bflag:$0x3] =	sbarrier.arrive $0xFFFF;
	s2 =	simm.s32 @!p0 $0x1C03  }
0x5f: {  	[timem:s3], [sflag:s2] =	dma.local @!p0 [hbm:s0], s1  }
0x60: {  	s0 =	simm.s32 @!p0 $0x3  }
0x61: {  	_ =	swait.ge @!p0 [sflag:s0], s1  }
0x62: {  	s1 =	ssub.s32 @!p0 $0x0, s1;
	[sflag:s0] =	ssyncset.done @!p0 $0x0  }
0x63: {  	[sflag:s0] =	ssyncadd.s32 @!p0 s1  }
0x64: {  	[bflag:$0x3] =	sbarrier.arrive $0xFFFF  }
0x65: {  	_ =	shalt  }

// kernel: kernel.14.cloned.1.call-start
scs
__scs_entry_jumppad:
0x0: {  	(pc) =	sbr.rel $0x88, $3  }
0x1: {  	(tag) =	ssettag $0x0;
	lr =	simm.s32 $0x1  }
0x2: {  	[smem:$0x3F95] =	sst lr;
	_ =	strace $0xD0000000  }
0x3: {  	_ = 	snop  }
0x4: {  	_ = 	snop  }
0x5: {  	_ = 	snop  }
0x6: {  	_ = 	snop  }
0x7: {  	_ = 	snop  }
__scs_overlays_trampoline_lowered:
0x8: {  	[smem:$0x3FA4] =	sst s0  }
0x9: {  	[smem:$0x3FA5] =	sst s1  }
0xa: {  	[smem:$0x3FA6] =	sst s2  }
0xb: {  	[smem:$0x3FA7] =	sst s3  }
0xc: {  	[smem:$0x3FA8] =	sst s4  }
0xd: {  	[smem:$0x3FA9] =	sst s5  }
0xe: {  	[smem:$0x3FAA] =	sst s6  }
0xf: {  	[smem:$0x3FAB] =	sst s7  }
0x10: {  	[smem:$0x3FAC] =	sst s8  }
0x11: {  	[smem:$0x3FAD] =	sst s9;
	s0 =	simm.s32 @!p0 $0x0  }
0x12: {  	s1 =	sld [smem:$0x3F93];
	s0 =	simm.s32 @p0 $0x1  }
0x13: {  	[smem:$0x3FAE] =	sst s0;
	s0 =	simm.s32 @!p1 $0x0  }
0x14: {  	s2 =	sld [smem:$0x3F92];
	s0 =	simm.s32 @p1 $0x1  }
0x15: {  	[smem:$0x3FAF] =	sst s0;
	s0 =	simm.s32 @!p2 $0x0  }
0x16: {  	s3 =	sld [smem:$0x3FDB];
	s0 =	simm.s32 @p2 $0x1  }
0x17: {  	s4 =	simm.s32 $0x1BF5;
	[smem:$0x3FB1] =	sst s0  }
0x18: {  	s0 =	sld [smem:$0x3F94];
	_ =	swait.ge [sflag:s4], $0x0  }
0x19: {  	s7 =	sld [smem:$0x3F95]  }
0x1a: {  	s8 =	sadd.s32 $0xFFFFE003, lr  }
0x1b: {  	s9 =	sadd.s32 $0xFFFFFEF7, lr;
	s5 =	simm.s32 $0xFFFFFFFF;
	p2 =	slt.u32 s8, $0xFFFFF086  }
0x1c: {  	p1 =	slt.u32 s9, $0xF7A;
	s5 =	simm.s32 @!p2 $0x0  }
0x1d: {  	s5 =	simm.s32 @p1 $0x1;
	p0 =	seq.s32 s7, s2  }
0x1e: {  	s7 =	smul.u32 @!p0 $0xF7A, s2;
	p2 =	seq.s32 @!p0 s5, $0x0  }
0x1f: {  	s9 =	smul.u32 $0xF7A, s1;
	s8 =	simm.s32 @!p0 $0x1BF5;
	p2 =	por !p2, p0  }
0x20: {  	[sflag:s8] =	ssyncset.s32 @!p0 $0xFFFFF086;
	s6 =	sadd.s32 @!p0 s3, s7;
	s7 =	simm.s32 @!p0 $0x108  }
0x21: {  	s3 =	sadd.s32 s3, s9;
	s6 =	sadd.s32 @!p0 $0x88, s6;
	s7 =	simm.s32 @p2 $0x1082  }
0x22: {  	[simem:s7], [sflag:s8] =	dma.local @!p0 [hbm:s6], $0xF7A  }
0x23: {  	s9 =	sor.u32 $0xD0000000, s2;
	s6 =	simm.s32 $0x108;
	_ =	swait.ge @!p0 [sflag:s8], $0x0  }
0x24: {  	s3 =	sadd.s32 $0x88, s3;
	s6 =	simm.s32 @!p1 $0x1082;
	[sflag:s4] =	ssyncset.s32 $0xFFFFF086  }
0x25: {  	[simem:s6], [sflag:s4] =	dma.local [hbm:s3], $0xF7A  }
0x26: {  	[smem:$0x3F95] =	sst s1;
	(tag) =	ssettag s2;
	_ =	strace s9  }
0x27: {  	s1 =	sld [smem:$0x3FA5]  }
0x28: {  	s2 =	sld [smem:$0x3FA6]  }
0x29: {  	s4 =	sld [smem:$0x3FA8]  }
0x2a: {  	p0 =	seq.s32 s5, $0x0;
	s5 =	sld [smem:$0x3FA9]  }
0x2b: {  	s6 =	sld [smem:$0x3FAA]  }
0x2c: {  	s7 =	sld [smem:$0x3FAB]  }
0x2d: {  	s3 =	simm.s32 $0x108;
	s8 =	sld [smem:$0x3FAC]  }
0x2e: {  	s3 =	simm.s32 @!p0 $0x1082;
	s9 =	sld [smem:$0x3FAD]  }
0x2f: {  	lr =	sadd.s32 s0, s3;
	s0 =	sld [smem:$0x3FA4]  }
0x30: {  	s3 =	sld [smem:$0x3FA7]  }
0x31: {  	[smem:$0x3FB0] =	sst s10  }
0x32: {  	s10 =	sld [smem:$0x3FAE];
	_ =	sdelay $0x3  }
0x33: {  	p0 =	seq.s32 s10, $0x1;
	s10 =	sld [smem:$0x3FB0];
	_ =	sdelay $0x3  }
0x34: {  	[smem:$0x3FB0] =	sst s10  }
0x35: {  	s10 =	sld [smem:$0x3FAF];
	_ =	sdelay $0x3  }
0x36: {  	p1 =	seq.s32 s10, $0x1;
	s10 =	sld [smem:$0x3FB0];
	_ =	sdelay $0x3  }
0x37: {  	[smem:$0x3FB0] =	sst s10  }
0x38: {  	s10 =	sld [smem:$0x3FB1]  }
0x39: {  	_ = 	snop;
	(pc) =	sbr.ind lr, $3  }
0x3a: {  	_ = 	snop  }
0x3b: {  	_ = 	snop  }
0x3c: {  	p2 =	seq.s32 s10, $0x1;
	s10 =	sld [smem:$0x3FB0]  }
0x3d: {  	_ =	shalt  }
0x3e: {  	_ =	shalt  }
0x3f: {  	_ =	shalt  }
0x40: {  	_ =	shalt  }
0x41: {  	_ =	shalt  }
0x42: {  	_ =	shalt  }
0x43: {  	_ =	shalt  }
0x44: {  	_ =	shalt  }
0x45: {  	_ =	shalt  }
0x46: {  	_ =	shalt  }
0x47: {  	_ =	shalt  }
0x48: {  	_ =	shalt  }
0x49: {  	_ =	shalt  }
0x4a: {  	_ =	shalt  }
0x4b: {  	_ =	shalt  }
0x4c: {  	_ =	shalt  }
0x4d: {  	_ =	shalt  }
0x4e: {  	_ =	shalt  }
0x4f: {  	_ =	shalt  }
0x50: {  	_ =	shalt  }
0x51: {  	_ =	shalt  }
0x52: {  	_ =	shalt  }
0x53: {  	_ =	shalt  }
0x54: {  	_ =	shalt  }
0x55: {  	_ =	shalt  }
0x56: {  	_ =	shalt  }
0x57: {  	_ =	shalt  }
0x58: {  	_ =	shalt  }
0x59: {  	_ =	shalt  }
0x5a: {  	_ =	shalt  }
0x5b: {  	_ =	shalt  }
0x5c: {  	_ =	shalt  }
0x5d: {  	_ =	shalt  }
0x5e: {  	_ =	shalt  }
0x5f: {  	_ =	shalt  }
0x60: {  	_ =	shalt  }
0x61: {  	_ =	shalt  }
0x62: {  	_ =	shalt  }
0x63: {  	_ =	shalt  }
0x64: {  	_ =	shalt  }
0x65: {  	_ =	shalt  }
0x66: {  	_ =	shalt  }
0x67: {  	_ =	shalt  }
0x68: {  	_ =	shalt  }
0x69: {  	_ =	shalt  }
0x6a: {  	_ =	shalt  }
0x6b: {  	_ =	shalt  }
0x6c: {  	_ =	shalt  }
0x6d: {  	_ =	shalt  }
0x6e: {  	_ =	shalt  }
0x6f: {  	_ =	shalt  }
0x70: {  	_ =	shalt  }
0x71: {  	_ =	shalt  }
0x72: {  	_ =	shalt  }
0x73: {  	_ =	shalt  }
0x74: {  	_ =	shalt  }
0x75: {  	_ =	shalt  }
0x76: {  	_ =	shalt  }
0x77: {  	_ =	shalt  }
0x78: {  	_ =	shalt  }
0x79: {  	_ =	shalt  }
0x7a: {  	_ =	shalt  }
0x7b: {  	_ =	shalt  }
0x7c: {  	_ =	shalt  }
0x7d: {  	_ =	shalt  }
0x7e: {  	_ =	shalt  }
0x7f: {  	_ =	shalt  }
0x80: {  	_ =	shalt  }
0x81: {  	_ =	shalt  }
0x82: {  	_ =	shalt  }
0x83: {  	_ =	shalt  }
0x84: {  	_ =	shalt  }
0x85: {  	_ =	shalt  }
0x86: {  	_ =	shalt  }
0x87: {  	_ =	shalt  }
.Lfunc_end0:
.L_simem_size_0:
called_computation.2_lowered:
.L_overlay_start_0:
0x88: {  	s2 =	sld [smem:$0x3FD9]  }
0x89: {  	s3 =	sld [smem:$0x3FFE];
	_ =	sdelay $0x1  }
0x8a: {  	s1 =	srdreg.scid  }
0x8b: {  	s0 =	sand.u32 $0x1, s1  }
0x8c: {  	s17 =	sshll.u32 s0, $0xA;
	s2 =	sadd.s32 s3, s2  }
0x8d: {  	s2 =	sadd.s32 s2, s17  }
0x8e: {  	[smem:$0x3FBC] =	sst s2  }
0x8f: {  	_ = 	snop  }
0x90: {  	s2 =	sld [smem:$0x3FD0];
	(tm) =	ssettm $0x1  }
0x91: {  	s18 =	sld [smem:$0x3FFB];
	_ =	sdelay $0x3  }
0x92: {  	_ =	strace s18  }
0x93: {  	s3 =	sld [smem:$0x3FFC];
	_ =	sdelay $0x3  }
0x94: {  	_ =	strace s3  }
0x95: {  	s3 =	sld [smem:$0x3FFD];
	_ =	sdelay $0x3  }
0x96: {  	_ =	strace s3  }
0x97: {  	_ =	strace $0x8FFFFFFF  }
0x98: {  	s19 =	sld [smem:$0x3FDB];
	_ =	sdelay $0x1  }
0x99: {  	s4 =	simm.s32 $_scs_section_size  }
0x9a: {  	s5 =	simm.s32 $_size__tile_overlayer_lowered;
	s6 =	simm.s32 $_tile_overlayer_lowered  }
0x9b: {  	s22 =	simm.s32 $0x1BFF;
	s21 =	sshll.u32 s6, $0x1;
	s3 =	sadd.s32 s4, s19  }
0x9c: {  	s7 =	simm.s32 $0x0;
	s20 =	sshll.u32 s5, $0x1;
	s5 =	sadd.s32 s21, s3  }
0x9d: {  	[timem:s7], [sflag:s22] =	dma.local [hbm:s5], s20  }
0x9e: {  	_ =	swait.ge [sflag:s22], s20  }
0x9f: {  	s4 =	ssub.s32 $0x0, s20;
	[sflag:s22] =	ssyncset.done $0x0  }
0xa0: {  	[sflag:s22] =	ssyncadd.s32 s4;
	_ =	sdelay $0x1  }
0xa1: {  	s23 =	simm.s32 $0x1B8B  }
0xa2: {  	_ =	swait.ge [sflag:s23], $0x1  }
0xa3: {  	[sflag:s23] =	ssyncset.done $0x0  }
0xa4: {  	s25 =	simm.s32 $0x1B8E;
	s24 =	sld [smem:$0x3FFE];
	[sflag:s23] =	ssyncadd.s32 $0xFFFFFFFF  }
0xa5: {  	s26 =	simm.s32 $execute0_lowered;
	[smem:$0x3FD2] =	sst s25  }
0xa6: {  	s5 =	sshll.u32 s26, $0x1;
	_ =	strace $0x8000004C;
	[dreg:$0x1] =	wrdreg $0xFFFFFFFF  }
0xa7: {  	s28 =	simm.s32 $_size_execute0_lowered;
	s3 =	sadd.s32 s3, s5;
	[dreg:$0x0] =	wrdreg $0x0  }
0xa8: {  	s5 =	sshll.u32 s28, $0x1;
	[dreg:$0x2] =	wrdreg s3  }
0xa9: {  	[dreg:$0x3] =	wrdreg s5  }
0xaa: {  	[dreg:$0x4] =	wrdreg $0xC0  }
0xab: {  	_ =	task [dreg:s7], $0x5FFFF  }
0xac: {  	[dreg:$0x1] =	wrdreg $0xFFFFFFFF  }
0xad: {  	[dreg:$0x0] =	wrdreg $0x60  }
0xae: {  	[dreg:$0x2] =	wrdreg s24  }
0xaf: {  	[dreg:$0x3] =	wrdreg s2  }
0xb0: {  	[dreg:$0x4] =	wrdreg $0x120000  }
0xb1: {  	[dreg:$0x5] =	wrdreg $0x9  }
0xb2: {  	_ =	task.clear_ibuf [dreg:s7], $0x6FFFF;
	_ =	strace $0x9000004C  }
0xb3: {  	s29 =	simm.s32 $0x9;
	_ =	strace $0x8000004E  }
0xb4: {  	_ =	swait.ge [sflag:s29], $0x1  }
0xb5: {  	[sflag:s29] =	ssyncadd.s32 $0xFFFFFFFF  }
0xb6: {  	_ =	strace $0x9000004E  }
0xb7: {  	_ =	sfence  }
0xb8: {  	s30 =	sld [smem:$0x0];
	_ =	sdelay $0x2  }
0xb9: {  	s31 =	sshll.u32 s1, $0xD;
	s1 =	sshrl.u32 s1, $0x2  }
0xba: {  	s3 =	sand.u32 $0x4000, s31;
	s1 =	sadd.s32 s1, s30  }
0xbb: {  	s0 =	sor.u32 s3, s0;
	s1 =	sshll.u32 s1, $0x11  }
0xbc: {  	s0 =	sor.u32 s1, s0  }
0xbd: {  	s0 =	sadd.s32 $0x8F2B, s0  }
0xbe: {  	[sflag:s0] =	ssyncadd.remote.s32 $0x1  }
0xbf: {  	_ =	sfence.sel $0xFFFF  }
0xc0: {  	[dreg:$0x0] =	wrdreg $0xFFFFFFFF;
	(pc) =	sbr.abs _section_cstart, $3  }
0xc1: {  	[dreg:$0x1] =	wrdreg $0xFFFFFFFF  }
0xc2: {  	_ =	task.clear_ibuf [dreg:s7], $0x2FFFF;
	_ =	strace $0x9FFFFFFF  }
0xc3: {  	(tm) =	ssettm $0x7FFFFFFF  }
tec
execute0_lowered:
.L_overlay_start_1:
0x0: {  	(tag) =	ssettag $0x1  }
0x1: {  	s6 =	rddreg [dreg:$0x0]  }
0x2: {  	s8 =	rddreg [dreg:$0x1]  }
0x3: {  	s0 =	stileid.u32;
	s1 =	srdreg.scid  }
0x4: {  	s2 =	rddreg [dreg:$0x2];
	s3 =	simm.s32 $0x0;
	s15 =	simm.s32 $0xA000  }
0x5: {  	s16 =	simm.s32 $0xE000;
	s17 =	simm.s32 $0x1;
	s18 =	simm.s32 $0x2  }
0x6: {  	s19 =	simm.s32 $0x9E00;
	s20 =	simm.s32 $0x9E80;
	s7 =	smul.u32 $0x5000, s0  }
0x7: {  	s5 =	sand.u32 $0x1, s1;
	s1 =	rddreg [dreg:$0x3];
	s11 =	smul.u32 $0xA000, s0  }
0x8: {  	s21 =	simm.s32 $0x0;
	[smem:$0x7FF] =	sst s3;
	s12 =	smul.u32 $0x28000, s0  }
0x9: {  	s4 =	sadd.s32 $0x3000, s6;
	s29 =	sshll.u32 s0, $0x6;
	s9 =	smul.u32 $0xA0000, s5  }
0xa: {  	_ =	strace $0x8000004D;
	s26 =	ssub.s32 $0x2, s5;
	s14 =	smul.u32 $0x50000, s5  }
0xb: {  	s5 =	sadd.s32 $0x2A800, s6;
	s10 =	sshrl.u32 s7, $0x3;
	s13 =	sshrl.u32 s26, $0x1  }
0xc: {  	s28 =	sshrl.u32 s12, $0x2;
	s12 =	simm.s32 $0x3;
	s10 =	sadd.s32 s10, s6  }
0xd: {  	s9 =	sadd.s32 s11, s9;
	s11 =	ssub.s32 s26, s13;
	s7 =	sadd.s32 s7, s14  }
0xe: {  	s30 =	sadd.s32 s28, s2;
	s13 =	simm.s32 $0x5000;
	s14 =	simm.s32 $0x80  }
0xf: {  	s9 =	sshrl.u32 s9, $0x3;
	s31 =	sshrl.u32 s7, $0x3;
	s7 =	sadd.s32 $0xAD800, s10  }
0x10: {  	s10 =	smax.u32 s11, $0x1;
	s11 =	sshrl.u32 s30, $0x3;
	s9 =	sadd.s32 s9, s6  }
0x11: {  	s6 =	sor.u32 $0x1C03, s29;
	s8 =	sadd.s32 s8, s31;
	s9 =	sadd.s32 $0x2BC00, s9  }
.LBB2_1:
0x12: {  	[spmem:s11], [sflag:s6] =	dma.local [hbm:s5], $0x1400  }
0x13: {  	_ =	swait.ge [sflag:s12], $0x1400  }
0x14: {  	[sflag:s12] =	ssyncset.done $0x0  }
0x15: {  	[sflag:s12] =	ssyncadd.s32 $0xFFFFEC00  }
0x16: {  	[bflag:$0x0] =	sbarrier.arrive $0xFFFF  }
0x17: {  	[tilespmem:s3], [sflag:$0x3] =	stream.linear.gather [hbm4b:s7+s3], $0x4F00, $0x38;
	[tilespmem:$0x1C000] =	vst v63  }
0x18: {  	_ =	swait.ge [sflag:s12], $0x4F00  }
0x19: {  	[sflag:s12] =	ssyncset.done $0x0  }
0x1a: {  	[sflag:s12] =	ssyncadd.s32 $0xFFFFB100  }
0x1b: {  	[tilespmem:s13], [sflag:$0x3] =	stream.linear.gather [hbm4b:s8+s3], $0x4F00, $0x38;
	[tilespmem:$0x1C000] =	vst v63  }
0x1c: {  	_ =	swait.ge [sflag:s12], $0x4F00  }
0x1d: {  	[sflag:s12] =	ssyncset.done $0x0  }
0x1e: {  	[sflag:s12] =	ssyncadd.s32 $0xFFFFB100  }
0x1f: {  	[tilespmem:s15], [sflag:$0x1] =	stream.indirect.gather [hbm4b:s4+s14], $0x80, s3, s14, $0xb8;
	[tilespmem:$0x1C000] =	vst v63  }
0x20: {  	_ = 	snop  }
0x21: {  	[tilespmem:s16], [sflag:$0x2] =	stream.indirect.gather [hbm4b:s4+s14], $0x80, s14, s14, $0xb8;
	[tilespmem:$0x1C000] =	vst v63  }
0x22: {  	_ =	swait.ge [sflag:s17], $0x4000  }
0x23: {  	[sflag:s17] =	ssyncset.done $0x0  }
0x24: {  	s22 =	simm.s32 $0x5000;
	[sflag:s17] =	ssyncadd.s32 $0xFFFFC000  }
0x25: {  	[spmem:s2] =	stream.indirect.scatter.add.f32 [tilespmem:s15], [sflag:$0x3], $0x80, s22, s14, $0xb8;
	[tilespmem:$0x1C000] =	vst v63  }
0x26: {  	_ =	swait.ge [sflag:s12], $0x4000  }
0x27: {  	[sflag:s12] =	ssyncset.done $0x0  }
0x28: {  	s30 =	simm.s32 $0x100;
	[sflag:s12] =	ssyncadd.s32 $0xFFFFC000  }
0x29: {  	[tilespmem:s15], [sflag:$0x1] =	stream.indirect.gather [hbm4b:s4+s14], $0x80, s30, s14, $0xb8;
	[tilespmem:$0x1C000] =	vst v63  }
0x2a: {  	_ =	swait.ge [sflag:s18], $0x4000  }
0x2b: {  	[sflag:s18] =	ssyncset.done $0x0  }
0x2c: {  	s31 =	simm.s32 $0x5080;
	[sflag:s18] =	ssyncadd.s32 $0xFFFFC000  }
0x2d: {  	[spmem:s2] =	stream.indirect.scatter.add.f32 [tilespmem:s16], [sflag:$0x3], $0x80, s31, s14, $0xb8;
	[tilespmem:$0x1C000] =	vst v63  }
0x2e: {  	_ =	swait.ge [sflag:s12], $0x4000  }
0x2f: {  	[sflag:s12] =	ssyncset.done $0x0  }
0x30: {  	s23 =	simm.s32 $0x180;
	s22 =	simm.s32 $0x400;
	[sflag:s12] =	ssyncadd.s32 $0xFFFFC000  }
.LBB2_2:
0x31: {  	[tilespmem:s16], [sflag:$0x2] =	stream.indirect.gather [hbm4b:s4+s14], $0x80, s23, s14, $0xb8;
	[tilespmem:$0x1C000] =	vst v63  }
0x32: {  	s23 =	smov.u32 s22  }
0x33: {  	p0 =	sne.s32 s22, $0x13400;
	s22 =	sadd.s32 $0x400, s22;
	_ =	swait.ge [sflag:s17], $0x4000  }
0x34: {  	s23 =	sshra.s32 s23, $0x2;
	[sflag:s17] =	ssyncset.done $0x0  }
0x35: {  	s24 =	sadd.s32 $0x5000, s23;
	[sflag:s17] =	ssyncadd.s32 $0xFFFFC000  }
0x36: {  	[spmem:s2] =	stream.indirect.scatter.add.f32 [tilespmem:s15], [sflag:$0x3], $0x80, s24, s14, $0xb8;
	[tilespmem:$0x1C000] =	vst v63  }
0x37: {  	_ =	swait.ge [sflag:s12], $0x4000  }
0x38: {  	[sflag:s12] =	ssyncset.done $0x0  }
0x39: {  	s24 =	sadd.s32 $0x100, s23;
	[sflag:s12] =	ssyncadd.s32 $0xFFFFC000  }
0x3a: {  	[tilespmem:s15], [sflag:$0x1] =	stream.indirect.gather [hbm4b:s4+s14], $0x80, s24, s14, $0xb8;
	[tilespmem:$0x1C000] =	vst v63  }
0x3b: {  	_ =	swait.ge [sflag:s18], $0x4000  }
0x3c: {  	[sflag:s18] =	ssyncset.done $0x0  }
.Ltmp0:
0x3d: {  	s24 =	sadd.s32 $0x5080, s23;
	[sflag:s18] =	ssyncadd.s32 $0xFFFFC000;
	(pc) =	sbr.rel @p0 .LBB2_2-.Ltmp0, $4  }
0x3e: {  	[spmem:s2] =	stream.indirect.scatter.add.f32 [tilespmem:s16], [sflag:$0x3], $0x80, s24, s14, $0xb8;
	[tilespmem:$0x1C000] =	vst v63  }
0x3f: {  	_ =	swait.ge [sflag:s12], $0x4000  }
0x40: {  	[sflag:s12] =	ssyncset.done $0x0  }
0x41: {  	s23 =	sadd.s32 $0x180, s23;
	[sflag:s12] =	ssyncadd.s32 $0xFFFFC000  }
0x42: {  	[tilespmem:s16], [sflag:$0x2] =	stream.indirect.gather [hbm4b:s4+s14], $0x80, s23, s14, $0xb8;
	[tilespmem:$0x1C000] =	vst v63  }
0x43: {  	_ =	swait.ge [sflag:s17], $0x4000  }
0x44: {  	[sflag:s17] =	ssyncset.done $0x0  }
0x45: {  	[sflag:s17] =	ssyncadd.s32 $0xFFFFC000  }
0x46: {  	[spmem:s2] =	stream.indirect.scatter.add.f32 [tilespmem:s15], [sflag:$0x3], $0x80, s19, s14, $0xb8;
	[tilespmem:$0x1C000] =	vst v63  }
0x47: {  	_ =	swait.ge [sflag:s12], $0x4000  }
0x48: {  	[sflag:s12] =	ssyncset.done $0x0  }
0x49: {  	[sflag:s12] =	ssyncadd.s32 $0xFFFFC000  }
0x4a: {  	_ =	swait.ge [sflag:s18], $0x4000  }
0x4b: {  	[sflag:s18] =	ssyncset.done $0x0  }
0x4c: {  	[sflag:s18] =	ssyncadd.s32 $0xFFFFC000  }
0x4d: {  	[spmem:s2] =	stream.indirect.scatter.add.f32 [tilespmem:s16], [sflag:$0x3], $0x80, s20, s14, $0xb8;
	[tilespmem:$0x1C000] =	vst v63  }
0x4e: {  	_ =	swait.ge [sflag:s12], $0x4000  }
0x4f: {  	s21 =	sadd.s32 $0x1, s21;
	[sflag:s12] =	ssyncset.done $0x0  }
0x50: {  	p0 =	sne.s32 s21, s10;
	[sflag:s12] =	ssyncadd.s32 $0xFFFFC000  }
.Ltmp1:
0x51: {  	[bflag:$0x0] =	sbarrier.arrive $0xFFFF;
	(pc) =	sbr.rel @p0 .LBB2_1-.Ltmp1, $4  }
0x52: {  	[hbm:s9], [sflag:s6] =	dma.local [spmem:s11], $0x1400  }
0x53: {  	_ =	swait.ge [sflag:s12], $0x1400  }
0x54: {  	[sflag:s12] =	ssyncset.done $0x0  }
0x55: {  	[sflag:s12] =	ssyncadd.s32 $0xFFFFEC00  }
0x56: {  	_ =	sfence.sel $0x180000  }
0x57: {  	[bflag:$0x0] =	sbarrier.arrive $0xFFFF  }
0x58: {  	p0 =	sne.s32 s0, $0x0;
	_ =	strace $0x9000004D  }
0x59: {  	s0 =	sadd.s32 @!p0 $0x100000, s1;
	[bflag:$0x2] =	sbarrier.arrive $0xFFFF  }
0x5a: {  	[sflag:s0] =	ssyncadd.tile.s32 @!p0 $0x1;
	_ =	shalt  }
.Lfunc_end2:
_tile_overlayer_lowered:
.L_overlay_start_2:
0x5b: {  	(tag) =	ssettag $0x2  }
0x5c: {  	s0 =	rddreg [dreg:$0x0];
	s2 =	stileid.u32  }
0x5d: {  	s1 =	rddreg [dreg:$0x1];
	p0 =	sne.s32 s2, $0x0  }
0x5e: {  	s3 =	rddreg [dreg:$0x2];
	[bflag:$0x3] =	sbarrier.arrive $0xFFFF;
	s2 =	simm.s32 @!p0 $0x1C03  }
0x5f: {  	[timem:s3], [sflag:s2] =	dma.local @!p0 [hbm:s0], s1  }
0x60: {  	s0 =	simm.s32 @!p0 $0x3  }
0x61: {  	_ =	swait.ge @!p0 [sflag:s0], s1  }
0x62: {  	s1 =	ssub.s32 @!p0 $0x0, s1;
	[sflag:s0] =	ssyncset.done @!p0 $0x0  }
0x63: {  	[sflag:s0] =	ssyncadd.s32 @!p0 s1  }
0x64: {  	[bflag:$0x3] =	sbarrier.arrive $0xFFFF  }
0x65: {  	_ =	shalt  }

// kernel: kernel.8.cloned.1.call-start
scs
__scs_entry_jumppad:
0x0: {  	(pc) =	sbr.rel $0x88, $3  }
0x1: {  	(tag) =	ssettag $0x0;
	lr =	simm.s32 $0x1  }
0x2: {  	[smem:$0x3F95] =	sst lr;
	_ =	strace $0xD0000000  }
0x3: {  	_ = 	snop  }
0x4: {  	_ = 	snop  }
0x5: {  	_ = 	snop  }
0x6: {  	_ = 	snop  }
0x7: {  	_ = 	snop  }
__scs_overlays_trampoline_lowered:
0x8: {  	[smem:$0x3FA4] =	sst s0  }
0x9: {  	[smem:$0x3FA5] =	sst s1  }
0xa: {  	[smem:$0x3FA6] =	sst s2  }
0xb: {  	[smem:$0x3FA7] =	sst s3  }
0xc: {  	[smem:$0x3FA8] =	sst s4  }
0xd: {  	[smem:$0x3FA9] =	sst s5  }
0xe: {  	[smem:$0x3FAA] =	sst s6  }
0xf: {  	[smem:$0x3FAB] =	sst s7  }
0x10: {  	[smem:$0x3FAC] =	sst s8  }
0x11: {  	[smem:$0x3FAD] =	sst s9;
	s0 =	simm.s32 @!p0 $0x0  }
0x12: {  	s1 =	sld [smem:$0x3F93];
	s0 =	simm.s32 @p0 $0x1  }
0x13: {  	[smem:$0x3FAE] =	sst s0;
	s0 =	simm.s32 @!p1 $0x0  }
0x14: {  	s2 =	sld [smem:$0x3F92];
	s0 =	simm.s32 @p1 $0x1  }
0x15: {  	[smem:$0x3FAF] =	sst s0;
	s0 =	simm.s32 @!p2 $0x0  }
0x16: {  	s3 =	sld [smem:$0x3FDB];
	s0 =	simm.s32 @p2 $0x1  }
0x17: {  	s4 =	simm.s32 $0x1BF5;
	[smem:$0x3FB1] =	sst s0  }
0x18: {  	s0 =	sld [smem:$0x3F94];
	_ =	swait.ge [sflag:s4], $0x0  }
0x19: {  	s7 =	sld [smem:$0x3F95]  }
0x1a: {  	s8 =	sadd.s32 $0xFFFFE003, lr  }
0x1b: {  	s9 =	sadd.s32 $0xFFFFFEF7, lr;
	s5 =	simm.s32 $0xFFFFFFFF;
	p2 =	slt.u32 s8, $0xFFFFF086  }
0x1c: {  	p1 =	slt.u32 s9, $0xF7A;
	s5 =	simm.s32 @!p2 $0x0  }
0x1d: {  	s5 =	simm.s32 @p1 $0x1;
	p0 =	seq.s32 s7, s2  }
0x1e: {  	s7 =	smul.u32 @!p0 $0xF7A, s2;
	p2 =	seq.s32 @!p0 s5, $0x0  }
0x1f: {  	s9 =	smul.u32 $0xF7A, s1;
	s8 =	simm.s32 @!p0 $0x1BF5;
	p2 =	por !p2, p0  }
0x20: {  	[sflag:s8] =	ssyncset.s32 @!p0 $0xFFFFF086;
	s6 =	sadd.s32 @!p0 s3, s7;
	s7 =	simm.s32 @!p0 $0x108  }
0x21: {  	s3 =	sadd.s32 s3, s9;
	s6 =	sadd.s32 @!p0 $0x88, s6;
	s7 =	simm.s32 @p2 $0x1082  }
0x22: {  	[simem:s7], [sflag:s8] =	dma.local @!p0 [hbm:s6], $0xF7A  }
0x23: {  	s9 =	sor.u32 $0xD0000000, s2;
	s6 =	simm.s32 $0x108;
	_ =	swait.ge @!p0 [sflag:s8], $0x0  }
0x24: {  	s3 =	sadd.s32 $0x88, s3;
	s6 =	simm.s32 @!p1 $0x1082;
	[sflag:s4] =	ssyncset.s32 $0xFFFFF086  }
0x25: {  	[simem:s6], [sflag:s4] =	dma.local [hbm:s3], $0xF7A  }
0x26: {  	[smem:$0x3F95] =	sst s1;
	(tag) =	ssettag s2;
	_ =	strace s9  }
0x27: {  	s1 =	sld [smem:$0x3FA5]  }
0x28: {  	s2 =	sld [smem:$0x3FA6]  }
0x29: {  	s4 =	sld [smem:$0x3FA8]  }
0x2a: {  	p0 =	seq.s32 s5, $0x0;
	s5 =	sld [smem:$0x3FA9]  }
0x2b: {  	s6 =	sld [smem:$0x3FAA]  }
0x2c: {  	s7 =	sld [smem:$0x3FAB]  }
0x2d: {  	s3 =	simm.s32 $0x108;
	s8 =	sld [smem:$0x3FAC]  }
0x2e: {  	s3 =	simm.s32 @!p0 $0x1082;
	s9 =	sld [smem:$0x3FAD]  }
0x2f: {  	lr =	sadd.s32 s0, s3;
	s0 =	sld [smem:$0x3FA4]  }
0x30: {  	s3 =	sld [smem:$0x3FA7]  }
0x31: {  	[smem:$0x3FB0] =	sst s10  }
0x32: {  	s10 =	sld [smem:$0x3FAE];
	_ =	sdelay $0x3  }
0x33: {  	p0 =	seq.s32 s10, $0x1;
	s10 =	sld [smem:$0x3FB0];
	_ =	sdelay $0x3  }
0x34: {  	[smem:$0x3FB0] =	sst s10  }
0x35: {  	s10 =	sld [smem:$0x3FAF];
	_ =	sdelay $0x3  }
0x36: {  	p1 =	seq.s32 s10, $0x1;
	s10 =	sld [smem:$0x3FB0];
	_ =	sdelay $0x3  }
0x37: {  	[smem:$0x3FB0] =	sst s10  }
0x38: {  	s10 =	sld [smem:$0x3FB1]  }
0x39: {  	_ = 	snop;
	(pc) =	sbr.ind lr, $3  }
0x3a: {  	_ = 	snop  }
0x3b: {  	_ = 	snop  }
0x3c: {  	p2 =	seq.s32 s10, $0x1;
	s10 =	sld [smem:$0x3FB0]  }
0x3d: {  	_ =	shalt  }
0x3e: {  	_ =	shalt  }
0x3f: {  	_ =	shalt  }
0x40: {  	_ =	shalt  }
0x41: {  	_ =	shalt  }
0x42: {  	_ =	shalt  }
0x43: {  	_ =	shalt  }
0x44: {  	_ =	shalt  }
0x45: {  	_ =	shalt  }
0x46: {  	_ =	shalt  }
0x47: {  	_ =	shalt  }
0x48: {  	_ =	shalt  }
0x49: {  	_ =	shalt  }
0x4a: {  	_ =	shalt  }
0x4b: {  	_ =	shalt  }
0x4c: {  	_ =	shalt  }
0x4d: {  	_ =	shalt  }
0x4e: {  	_ =	shalt  }
0x4f: {  	_ =	shalt  }
0x50: {  	_ =	shalt  }
0x51: {  	_ =	shalt  }
0x52: {  	_ =	shalt  }
0x53: {  	_ =	shalt  }
0x54: {  	_ =	shalt  }
0x55: {  	_ =	shalt  }
0x56: {  	_ =	shalt  }
0x57: {  	_ =	shalt  }
0x58: {  	_ =	shalt  }
0x59: {  	_ =	shalt  }
0x5a: {  	_ =	shalt  }
0x5b: {  	_ =	shalt  }
0x5c: {  	_ =	shalt  }
0x5d: {  	_ =	shalt  }
0x5e: {  	_ =	shalt  }
0x5f: {  	_ =	shalt  }
0x60: {  	_ =	shalt  }
0x61: {  	_ =	shalt  }
0x62: {  	_ =	shalt  }
0x63: {  	_ =	shalt  }
0x64: {  	_ =	shalt  }
0x65: {  	_ =	shalt  }
0x66: {  	_ =	shalt  }
0x67: {  	_ =	shalt  }
0x68: {  	_ =	shalt  }
0x69: {  	_ =	shalt  }
0x6a: {  	_ =	shalt  }
0x6b: {  	_ =	shalt  }
0x6c: {  	_ =	shalt  }
0x6d: {  	_ =	shalt  }
0x6e: {  	_ =	shalt  }
0x6f: {  	_ =	shalt  }
0x70: {  	_ =	shalt  }
0x71: {  	_ =	shalt  }
0x72: {  	_ =	shalt  }
0x73: {  	_ =	shalt  }
0x74: {  	_ =	shalt  }
0x75: {  	_ =	shalt  }
0x76: {  	_ =	shalt  }
0x77: {  	_ =	shalt  }
0x78: {  	_ =	shalt  }
0x79: {  	_ =	shalt  }
0x7a: {  	_ =	shalt  }
0x7b: {  	_ =	shalt  }
0x7c: {  	_ =	shalt  }
0x7d: {  	_ =	shalt  }
0x7e: {  	_ =	shalt  }
0x7f: {  	_ =	shalt  }
0x80: {  	_ =	shalt  }
0x81: {  	_ =	shalt  }
0x82: {  	_ =	shalt  }
0x83: {  	_ =	shalt  }
0x84: {  	_ =	shalt  }
0x85: {  	_ =	shalt  }
0x86: {  	_ =	shalt  }
0x87: {  	_ =	shalt  }
.Lfunc_end0:
.L_simem_size_0:
called_computation_lowered:
.L_overlay_start_0:
0x88: {  	s2 =	sld [smem:$0x3FD9]  }
0x89: {  	s3 =	sld [smem:$0x3FFE];
	_ =	sdelay $0x1  }
0x8a: {  	s1 =	srdreg.scid  }
0x8b: {  	s0 =	sand.u32 $0x1, s1  }
0x8c: {  	s17 =	sshll.u32 s0, $0xA;
	s2 =	sadd.s32 s3, s2  }
0x8d: {  	s2 =	sadd.s32 s2, s17  }
0x8e: {  	[smem:$0x3FBC] =	sst s2  }
0x8f: {  	_ = 	snop  }
0x90: {  	s2 =	sld [smem:$0x3FD0];
	(tm) =	ssettm $0x1  }
0x91: {  	s18 =	sld [smem:$0x3FFB];
	_ =	sdelay $0x3  }
0x92: {  	_ =	strace s18  }
0x93: {  	s3 =	sld [smem:$0x3FFC];
	_ =	sdelay $0x3  }
0x94: {  	_ =	strace s3  }
0x95: {  	s3 =	sld [smem:$0x3FFD];
	_ =	sdelay $0x3  }
0x96: {  	_ =	strace s3  }
0x97: {  	_ =	strace $0x8FFFFFFF  }
0x98: {  	s19 =	sld [smem:$0x3FDB];
	_ =	sdelay $0x1  }
0x99: {  	s4 =	simm.s32 $_scs_section_size  }
0x9a: {  	s5 =	simm.s32 $_size__tile_overlayer_lowered;
	s6 =	simm.s32 $_tile_overlayer_lowered  }
0x9b: {  	s22 =	simm.s32 $0x1BFF;
	s21 =	sshll.u32 s6, $0x1;
	s3 =	sadd.s32 s4, s19  }
0x9c: {  	s7 =	simm.s32 $0x0;
	s20 =	sshll.u32 s5, $0x1;
	s5 =	sadd.s32 s21, s3  }
0x9d: {  	[timem:s7], [sflag:s22] =	dma.local [hbm:s5], s20  }
0x9e: {  	_ =	swait.ge [sflag:s22], s20  }
0x9f: {  	s4 =	ssub.s32 $0x0, s20;
	[sflag:s22] =	ssyncset.done $0x0  }
0xa0: {  	[sflag:s22] =	ssyncadd.s32 s4;
	_ =	sdelay $0x1  }
0xa1: {  	s23 =	simm.s32 $0x1B8B  }
0xa2: {  	_ =	swait.ge [sflag:s23], $0x1  }
0xa3: {  	[sflag:s23] =	ssyncset.done $0x0  }
0xa4: {  	s25 =	simm.s32 $0x1B8E;
	s24 =	sld [smem:$0x3FFE];
	[sflag:s23] =	ssyncadd.s32 $0xFFFFFFFF  }
0xa5: {  	s26 =	simm.s32 $execute0_lowered;
	[smem:$0x3FD2] =	sst s25  }
0xa6: {  	s5 =	sshll.u32 s26, $0x1;
	_ =	strace $0x80000046;
	[dreg:$0x1] =	wrdreg $0xFFFFFFFF  }
0xa7: {  	s28 =	simm.s32 $_size_execute0_lowered;
	s3 =	sadd.s32 s3, s5;
	[dreg:$0x0] =	wrdreg $0x0  }
0xa8: {  	s5 =	sshll.u32 s28, $0x1;
	[dreg:$0x2] =	wrdreg s3  }
0xa9: {  	[dreg:$0x3] =	wrdreg s5  }
0xaa: {  	[dreg:$0x4] =	wrdreg $0xC0  }
0xab: {  	_ =	task [dreg:s7], $0x5FFFF  }
0xac: {  	[dreg:$0x1] =	wrdreg $0xFFFFFFFF  }
0xad: {  	[dreg:$0x0] =	wrdreg $0x60  }
0xae: {  	[dreg:$0x2] =	wrdreg s2  }
0xaf: {  	[dreg:$0x3] =	wrdreg s24  }
0xb0: {  	[dreg:$0x4] =	wrdreg $0x90000  }
0xb1: {  	[dreg:$0x5] =	wrdreg $0x9  }
0xb2: {  	_ =	task.clear_ibuf [dreg:s7], $0x6FFFF;
	_ =	strace $0x90000046  }
0xb3: {  	s29 =	simm.s32 $0x9;
	_ =	strace $0x80000048  }
0xb4: {  	_ =	swait.ge [sflag:s29], $0x1  }
0xb5: {  	[sflag:s29] =	ssyncadd.s32 $0xFFFFFFFF  }
0xb6: {  	_ =	strace $0x90000048  }
0xb7: {  	_ =	sfence  }
0xb8: {  	s30 =	sld [smem:$0x0];
	_ =	sdelay $0x2  }
0xb9: {  	s31 =	sshll.u32 s1, $0xD;
	s1 =	sshrl.u32 s1, $0x2  }
0xba: {  	s3 =	sand.u32 $0x4000, s31;
	s1 =	sadd.s32 s1, s30  }
0xbb: {  	s0 =	sor.u32 s3, s0;
	s1 =	sshll.u32 s1, $0x11  }
0xbc: {  	s0 =	sor.u32 s1, s0  }
0xbd: {  	s0 =	sadd.s32 $0x8F2B, s0  }
0xbe: {  	[sflag:s0] =	ssyncadd.remote.s32 $0x1  }
0xbf: {  	_ =	sfence.sel $0xFFFF  }
0xc0: {  	[dreg:$0x0] =	wrdreg $0xFFFFFFFF;
	(pc) =	sbr.abs _section_cstart, $3  }
0xc1: {  	[dreg:$0x1] =	wrdreg $0xFFFFFFFF  }
0xc2: {  	_ =	task.clear_ibuf [dreg:s7], $0x2FFFF;
	_ =	strace $0x9FFFFFFF  }
0xc3: {  	(tm) =	ssettm $0x7FFFFFFF  }
tec
execute0_lowered:
.L_overlay_start_1:
0x0: {  	(tag) =	ssettag $0x1  }
0x1: {  	s5 =	rddreg [dreg:$0x0]  }
0x2: {  	s6 =	rddreg [dreg:$0x1]  }
0x3: {  	s0 =	srdreg.scid;
	s2 =	rddreg [dreg:$0x2];
	s3 =	simm.s32 $0x0  }
0x4: {  	s14 =	simm.s32 $0x80;
	s4 =	sand.u32 $0x1, s0;
	s0 =	stileid.u32  }
0x5: {  	s15 =	simm.s32 $0x5000;
	[smem:$0x7FF] =	sst s3;
	s8 =	smul.u32 $0x278000, s4  }
0x6: {  	s1 =	sshll.u32 s4, $0x4;
	s9 =	smul.u32 $0x13C00, s0;
	s29 =	ssub.s32 $0x2, s4  }
0x7: {  	s11 =	smul.u32 $0x4F000, s0;
	s4 =	sadd.s32 $0xD000, s6;
	s12 =	sshll.u32 s0, $0x6  }
0x8: {  	s1 =	sor.u32 s0, s1;
	s30 =	sshrl.u32 s29, $0x1;
	s12 =	sor.u32 $0x1C01, s12  }
0x9: {  	s7 =	smul.u32 $0x500, s1;
	s1 =	rddreg [dreg:$0x3];
	_ =	strace $0x80000047  }
0xa: {  	s8 =	sadd.s32 s9, s8;
	s9 =	ssub.s32 s29, s30;
	s31 =	sshrl.u32 s11, $0x2  }
0xb: {  	s11 =	simm.s32 $0x2800;
	s8 =	sshrl.u32 s8, $0x3;
	s13 =	sadd.s32 s31, s2  }
0xc: {  	s9 =	smax.u32 s9, $0x1;
	s10 =	sadd.s32 s7, s6;
	s8 =	sadd.s32 s8, s6  }
0xd: {  	s5 =	sadd.s32 s5, s7;
	s13 =	sshrl.u32 s13, $0x3;
	s6 =	sadd.s32 $0x3000, s10  }
0xe: {  	v0 =	vimm.f32 $1.000000000e+00;
	s7 =	sadd.s32 $0xF800, s8;
	s8 =	sadd.s32 $0x37000, s8;
	s10 =	simm.s32 $0x1  }
.LBB2_1:
0xf: {  	s16 =	simm.s32 $0x0;
	s17 =	simm.s32 $0x200  }
.LBB2_2:
0x10: {  	p0 =	sne.s32 s17, $0xFE00;
	[tilespmem:s16+$0x5070] =	vst v0  }
0x11: {  	[tilespmem:s16+$0x5000] =	vst v0  }
0x12: {  	[tilespmem:s16+$0x5010] =	vst v0  }
.Ltmp0:
0x13: {  	[tilespmem:s16+$0x5020] =	vst v0;
	(pc) =	sbr.rel @p0 .LBB2_2-.Ltmp0, $4  }
0x14: {  	[tilespmem:s16+$0x5030] =	vst v0  }
0x15: {  	[tilespmem:s16+$0x5040] =	vst v0  }
0x16: {  	[tilespmem:s16+$0x5050] =	vst v0  }
0x17: {  	[tilespmem:s16+$0x5060] =	vst v0;
	s16 =	sshra.s32 s17, $0x2;
	s17 =	sadd.s32 $0x200, s17  }
0x18: {  	[tilespmem:s16+$0x5070] =	vst v0  }
0x19: {  	[tilespmem:s16+$0x5000] =	vst v0  }
0x1a: {  	[tilespmem:s16+$0x5010] =	vst v0  }
0x1b: {  	[tilespmem:s16+$0x5020] =	vst v0  }
0x1c: {  	[tilespmem:s16+$0x5030] =	vst v0  }
0x1d: {  	[tilespmem:s16+$0x5040] =	vst v0  }
0x1e: {  	[tilespmem:s16+$0x5050] =	vst v0  }
0x1f: {  	[tilespmem:s16+$0x5060] =	vst v0;
	s30 =	simm.s32 $0x0  }
0x20: {  	[tilespmem:s30], [sflag:$0x1] =	stream.linear.gather [hbm4b:s5+s30], $0x2780, $0x38;
	[tilespmem:$0x1CC00] =	vst v63  }
0x21: {  	_ =	swait.ge [sflag:s10], $0x2780  }
0x22: {  	[sflag:s10] =	ssyncset.done $0x0  }
0x23: {  	[sflag:s10] =	ssyncadd.s32 $0xFFFFD880  }
0x24: {  	[tilespmem:s11], [sflag:$0x1] =	stream.linear.gather [hbm4b:s6+s30], $0x2780, $0x38;
	[tilespmem:$0x1CC00] =	vst v63  }
0x25: {  	_ =	swait.ge [sflag:s10], $0x2780  }
0x26: {  	[sflag:s10] =	ssyncset.done $0x0  }
0x27: {  	[sflag:s10] =	ssyncadd.s32 $0xFFFFD880  }
0x28: {  	[spmem:s13], [sflag:s12] =	dma.local [hbm:s4], $0x2780  }
0x29: {  	_ =	swait.ge [sflag:s10], $0x2780  }
0x2a: {  	[sflag:s10] =	ssyncset.done $0x0  }
0x2b: {  	[sflag:s10] =	ssyncadd.s32 $0xFFFFD880  }
0x2c: {  	s31 =	simm.s32 $0x0;
	[bflag:$0x0] =	sbarrier.arrive $0xFFFF  }
0x2d: {  	[spmem:s2] =	stream.indirect.scatter.add.f32 [tilespmem:s15], [sflag:$0x1], $0x80, s31, s14, $0xb8;
	[tilespmem:$0x1CC00] =	vst v63  }
0x2e: {  	_ =	swait.ge [sflag:s10], $0x4000  }
0x2f: {  	s16 =	simm.s32 $0x200;
	[sflag:s10] =	ssyncset.done $0x0  }
.LBB2_4:
0x30: {  	s17 =	sshra.s32 s16, $0x2;
	[sflag:s10] =	ssyncadd.s32 $0xFFFFC000;
	p0 =	sne.s32 s16, $0x9C00  }
0x31: {  	[spmem:s2] =	stream.indirect.scatter.add.f32 [tilespmem:s15], [sflag:$0x1], $0x80, s17, s14, $0xb8;
	[tilespmem:$0x1CC00] =	vst v63  }
.Ltmp1:
0x32: {  	_ = 	snop;
	(pc) =	sbr.rel @p0 .LBB2_4-.Ltmp1, $4  }
0x33: {  	_ = 	snop  }
0x34: {  	s16 =	sadd.s32 $0x200, s16  }
0x35: {  	_ =	swait.ge [sflag:s10], $0x4000  }
0x36: {  	[sflag:s10] =	ssyncset.done $0x0  }
0x37: {  	[sflag:s10] =	ssyncadd.s32 $0xFFFFC000  }
0x38: {  	[bflag:$0x0] =	sbarrier.arrive $0xFFFF  }
0x39: {  	[hbm:s7], [sflag:s12] =	dma.local [spmem:s13], $0x2780  }
0x3a: {  	_ =	swait.ge [sflag:s10], $0x2780  }
0x3b: {  	[sflag:s10] =	ssyncset.done $0x0  }
0x3c: {  	[sflag:s10] =	ssyncadd.s32 $0xFFFFD880  }
0x3d: {  	[bflag:$0x0] =	sbarrier.arrive $0xFFFF  }
0x3e: {  	[spmem:s13], [sflag:s12] =	dma.local [hbm:s4], $0x2780  }
0x3f: {  	_ =	swait.ge [sflag:s10], $0x2780  }
0x40: {  	[sflag:s10] =	ssyncset.done $0x0  }
0x41: {  	[sflag:s10] =	ssyncadd.s32 $0xFFFFD880  }
0x42: {  	s16 =	simm.s32 $0x2800;
	[bflag:$0x0] =	sbarrier.arrive $0xFFFF  }
0x43: {  	[spmem:s2] =	stream.indirect.scatter.add.f32 [tilespmem:s15], [sflag:$0x1], $0x80, s16, s14, $0xb8;
	[tilespmem:$0x1CC00] =	vst v63  }
0x44: {  	s16 =	simm.s32 $0x200;
	_ =	swait.ge [sflag:s10], $0x4000  }
.LBB2_6:
0x45: {  	s17 =	sshra.s32 s16, $0x2;
	[sflag:s10] =	ssyncset.done $0x0;
	p0 =	sne.s32 s16, $0x9C00  }
.Ltmp2:
0x46: {  	s17 =	sadd.s32 $0x2800, s17;
	[sflag:s10] =	ssyncadd.s32 $0xFFFFC000;
	(pc) =	sbr.rel @p0 .LBB2_6-.Ltmp2, $3  }
0x47: {  	[spmem:s2] =	stream.indirect.scatter.add.f32 [tilespmem:s15], [sflag:$0x1], $0x80, s17, s14, $0xb8;
	[tilespmem:$0x1CC00] =	vst v63  }
0x48: {  	s16 =	sadd.s32 $0x200, s16;
	_ =	sdelay $0x1  }
0x49: {  	_ =	swait.ge [sflag:s10], $0x4000  }
0x4a: {  	[sflag:s10] =	ssyncset.done $0x0  }
0x4b: {  	s3 =	sadd.s32 $0x1, s3;
	[sflag:s10] =	ssyncadd.s32 $0xFFFFC000  }
0x4c: {  	p0 =	sne.s32 s3, s9;
	[bflag:$0x0] =	sbarrier.arrive $0xFFFF  }
0x4d: {  	[hbm:s8], [sflag:s12] =	dma.local [spmem:s13], $0x2780  }
.Ltmp3:
0x4e: {  	_ =	swait.ge [sflag:s10], $0x2780;
	(pc) =	sbr.rel @p0 .LBB2_1-.Ltmp3, $3  }
0x4f: {  	[sflag:s10] =	ssyncset.done $0x0  }
0x50: {  	[sflag:s10] =	ssyncadd.s32 $0xFFFFD880  }
0x51: {  	[bflag:$0x0] =	sbarrier.arrive $0xFFFF;
	_ =	sdelay $0x1  }
0x52: {  	_ =	sfence.sel $0x180000  }
0x53: {  	[bflag:$0x0] =	sbarrier.arrive $0xFFFF  }
0x54: {  	p0 =	sne.s32 s0, $0x0;
	_ =	strace $0x90000047  }
0x55: {  	s0 =	sadd.s32 @!p0 $0x100000, s1;
	[bflag:$0x2] =	sbarrier.arrive $0xFFFF  }
0x56: {  	[sflag:s0] =	ssyncadd.tile.s32 @!p0 $0x1;
	_ =	shalt  }
.Lfunc_end2:
_tile_overlayer_lowered:
.L_overlay_start_2:
0x57: {  	(tag) =	ssettag $0x2  }
0x58: {  	s0 =	rddreg [dreg:$0x0];
	s2 =	stileid.u32  }
0x59: {  	s1 =	rddreg [dreg:$0x1];
	p0 =	sne.s32 s2, $0x0  }
0x5a: {  	s3 =	rddreg [dreg:$0x2];
	[bflag:$0x3] =	sbarrier.arrive $0xFFFF;
	s2 =	simm.s32 @!p0 $0x1C01  }
0x5b: {  	[timem:s3], [sflag:s2] =	dma.local @!p0 [hbm:s0], s1  }
0x5c: {  	s0 =	simm.s32 @!p0 $0x1  }
0x5d: {  	_ =	swait.ge @!p0 [sflag:s0], s1  }
0x5e: {  	s1 =	ssub.s32 @!p0 $0x0, s1;
	[sflag:s0] =	ssyncset.done @!p0 $0x0  }
0x5f: {  	[sflag:s0] =	ssyncadd.s32 @!p0 s1  }
0x60: {  	[bflag:$0x3] =	sbarrier.arrive $0xFFFF  }
0x61: {  	_ =	shalt  }

</sc_bundles>
